<compile_context>
chip_gen: v7x
topology: tpu7x:2x2x1
jax: 0.10.2.dev20260603
libtpu: 0.0.44.dev20260713+nightly
codegen_flags: <defaults>
</compile_context>

<pallas_src>
import jax
import jax.numpy as jnp
from jax import lax
from jax.experimental import pallas as pl
from jax.experimental.pallas import tpu as pltpu
from jax.experimental.pallas import tpu_sc as plsc

B = 4096
NCAT = 26
NNUM = 10
VOCAB = 1000
CH = 128
OUT = 128
NCOLS = NCAT + NNUM

_info = plsc.get_sparse_core_info()
NC, NS, NL = _info.num_cores, _info.num_subcores, _info.num_lanes
NW = NC * NS
RW = B // NW
CB = 4
IPC = CB * NCAT
NCHUNK = RW // CB
NV = CH // NL
NBUF = 2


def _gather_sum_body(idx_hbm, table_hbm, acc_hbm, idx_v, rows0, rows1, out_v,
                     sem0, sem1):
    wid = lax.axis_index("s") * NC + lax.axis_index("c")
    rows = (rows0, rows1)
    sems = (sem0, sem1)
    pltpu.sync_copy(idx_hbm.at[wid], idx_v)
    for b in range(NBUF):
        pltpu.async_copy(table_hbm.at[idx_v.at[b]], rows[b], sems[b])

    def outer(ci0, carry):
        for b in range(NBUF):
            ci = ci0 * NBUF + b
            pltpu.make_async_copy(table_hbm.at[idx_v.at[ci]], rows[b],
                                  sems[b]).wait()
            for r in range(CB):
                for g in range(NV):
                    out_v[ci * CB + r, pl.ds(g * NL, NL)] = rows[b][
                        r * NCAT, pl.ds(g * NL, NL)]
            nci = ci + NBUF

            @pl.when(nci < NCHUNK)
            def _():
                pltpu.async_copy(table_hbm.at[idx_v.at[nci]], rows[b], sems[b])
        return carry

    lax.fori_loop(0, NCHUNK // NBUF, outer, 0)
    obase = pl.multiple_of(wid * RW, 8)
    pltpu.sync_copy(out_v, acc_hbm.at[pl.ds(obase, RW)])


_gather_sum = pl.kernel(
    _gather_sum_body,
    out_type=jax.ShapeDtypeStruct((B, CH), jnp.float32),
    mesh=plsc.VectorSubcoreMesh(core_axis_name="c", subcore_axis_name="s"),
    scratch_types=[
        pltpu.VMEM((NCHUNK, IPC), jnp.int32),
        pltpu.VMEM((IPC, CH), jnp.float32),
        pltpu.VMEM((IPC, CH), jnp.float32),
        pltpu.VMEM((RW, CH), jnp.float32),
        pltpu.SemaphoreType.DMA,
        pltpu.SemaphoreType.DMA,
    ],
)


def _decode_body(acc_ref, fn_ref, wn_ref, bn_ref, wd_ref, bd_ref, out_ref):
    s = acc_ref[...] + jnp.dot(fn_ref[...], wn_ref[...],
                               preferred_element_type=jnp.float32)
    s = s + jnp.sum(bn_ref[...], axis=0)[None, :]
    mean = s * (1.0 / NCOLS)
    out_ref[...] = jnp.dot(mean, wd_ref[...],
                           preferred_element_type=jnp.float32) + bd_ref[...]


_BM = 1024
_decode = pl.pallas_call(
    _decode_body,
    grid=(B // _BM,),
    in_specs=[
        pl.BlockSpec((_BM, CH), lambda i: (i, 0)),
        pl.BlockSpec((_BM, NNUM), lambda i: (i, 0)),
        pl.BlockSpec((NNUM, CH), lambda i: (0, 0)),
        pl.BlockSpec((NNUM, CH), lambda i: (0, 0)),
        pl.BlockSpec((CH, OUT), lambda i: (0, 0)),
        pl.BlockSpec((1, OUT), lambda i: (0, 0)),
    ],
    out_specs=pl.BlockSpec((_BM, OUT), lambda i: (i, 0)),
    out_shape=jax.ShapeDtypeStruct((B, OUT), jnp.float32),
)


@jax.jit
def kernel(feat_cat, feat_num, emb_table, W_num, b_num, W_dec, b_dec):
    col_off = jnp.arange(NCAT, dtype=jnp.int32) * VOCAB
    flat_idx = (feat_cat.astype(jnp.int32) + col_off[None, :]).reshape(
        NW, NCHUNK, IPC)
    table = emb_table.reshape(NCAT * VOCAB, CH)
    acc = _gather_sum(flat_idx, table)
    return _decode(acc, feat_num, W_num, b_num, W_dec, b_dec.reshape(1, OUT))

# --- scband reference (transcript-rebuilt; emitter-appended) ---
"""Pipeline reference for scband-baseline-encoder-58179626992417 (READ-ONLY COPY).

The authoritative reference and input builder live on the scoring server;
editing this copy changes nothing except your own understanding.
"""

import jax, jax.numpy as jnp
import numpy as np

B = 4096
NCAT = 26
NNUM = 10
VOCAB = 1000
CH = 128
OUT = 128


def setup_inputs(seed: int = 0) -> dict:
    key = jax.random.key(seed)
    k1, k2, k3, k4, k5 = jax.random.split(key, 5)
    feat_cat = jax.random.randint(k1, (B, NCAT), 0, VOCAB)
    feat_num = jax.random.normal(k2, (B, NNUM), dtype=jnp.float32)
    # StypeWiseFeatureEncoder params: per-categorical-column embedding tables
    # (stacked: [NCAT, VOCAB, CH]) and per-numerical-column linear encoders
    # (weight/bias of shape [NNUM, CH]). Decoder: Linear(CH, OUT).
    emb_table = jax.random.normal(k3, (NCAT, VOCAB, CH), dtype=jnp.float32) * 0.02
    W_num = jax.random.normal(k4, (NNUM, CH), dtype=jnp.float32) * 0.02
    b_num = jnp.zeros((NNUM, CH), dtype=jnp.float32)
    W_dec = jax.random.normal(k5, (CH, OUT), dtype=jnp.float32) * (1.0 / np.sqrt(CH))
    b_dec = jnp.zeros((OUT,), dtype=jnp.float32)
    return {
        "feat_cat": feat_cat,
        "feat_num": feat_num,
        "emb_table": emb_table,
        "W_num": W_num,
        "b_num": b_num,
        "W_dec": W_dec,
        "b_dec": b_dec,
    }


def reference(feat_cat, feat_num, emb_table, W_num, b_num, W_dec, b_dec):
    # EmbeddingEncoder: per-column embedding lookup -> [B, NCAT, CH]
    col_idx = jnp.arange(NCAT)[None, :]  # [1, NCAT]
    x_cat = emb_table[col_idx, feat_cat]  # gather -> [B, NCAT, CH]
    # LinearEncoder: per-column scalar -> CH projection -> [B, NNUM, CH]
    x_num = feat_num[:, :, None] * W_num[None, :, :] + b_num[None, :, :]
    # StypeWiseFeatureEncoder concatenates stype outputs along column dim
    x = jnp.concatenate([x_cat, x_num], axis=1)  # [B, NCAT+NNUM, CH]
    # decoder(x.mean(dim=1))
    out = x.mean(axis=1) @ W_dec + b_dec  # [B, OUT]
    return out

if __name__ == "__main__":
    import jax
    _d = setup_inputs()
    print(jax.jit(kernel)(*tuple(_d.values())))

</pallas_src>

<mosaic_0001>
#map = affine_map<(d0, d1) -> (0, 0, 0)>
#map1 = affine_map<(d0, d1) -> (0, 0)>
module attributes {stable_mosaic.version = 14 : i64} {
  func.func @_gather_sum_body(%arg0: i32, %arg1: i32, %arg2: memref<32x32x104xi32, #tpu.memory_space<hbm>>, %arg3: memref<26000x128xf32, #tpu.memory_space<hbm>>, %arg4: memref<4096x128xf32, #tpu.memory_space<hbm>>, %arg5: memref<32x104xi32, #tpu.memory_space<vmem>>, %arg6: memref<104x128xf32, #tpu.memory_space<vmem>>, %arg7: memref<104x128xf32, #tpu.memory_space<vmem>>, %arg8: memref<128x128xf32, #tpu.memory_space<vmem>>, %arg9: memref<!tpu.dma_semaphore, #tpu.memory_space<semaphore_mem>>, %arg10: memref<!tpu.dma_semaphore, #tpu.memory_space<semaphore_mem>>) attributes {dimension_semantics = [#tpu.dimension_semantics<core_parallel>, #tpu.dimension_semantics<subcore_parallel>], iteration_bounds = array<i64: 2, 16>, scalar_prefetch = 0 : i64, scratch_operands = 6 : i64, tpu.core_type = #tpu.core_type<sc_vector_subcore>, window_params = [{transform_indices = #map}, {transform_indices = #map1}, {transform_indices = #map1}]} {
    %mul3A = arith.constant 2 : i32
    %mul3A_0 = arith.muli %arg1, %mul3A : i32
    %add3A = arith.addi %mul3A_0, %arg0 : i32
    "tpu.region"() ({
      %run_scoped3A = tpu.sem_alloc : memref<!tpu.dma_semaphore, #tpu.memory_space<semaphore_mem>>
      %dma_start3A_21 = arith.constant 0 : i32
      %dma_start3A_22 = arith.constant 0 : i32
      %dma_start3A_23 = tpu.memref_slice %arg2[%add3A, %dma_start3A_21, %dma_start3A_22] : memref<32x32x104xi32, #tpu.memory_space<hbm>> -> memref<1x32x104xi32, #tpu.memory_space<hbm>>
      %dma_start3A_24 = tpu.memref_squeeze %dma_start3A_23 : memref<1x32x104xi32, #tpu.memory_space<hbm>> -> memref<32x104xi32, #tpu.memory_space<hbm>>
      %dma_start3A_25 = arith.constant 0 : i32
      %dma_start3A_26 = arith.constant 0 : i32
      %dma_start3A_27 = tpu.memref_slice %arg2[%add3A, %dma_start3A_25, %dma_start3A_26] : memref<32x32x104xi32, #tpu.memory_space<hbm>> -> memref<1x32x104xi32, #tpu.memory_space<hbm>>
      %dma_start3A_28 = tpu.memref_squeeze %dma_start3A_27 : memref<1x32x104xi32, #tpu.memory_space<hbm>> -> memref<32x104xi32, #tpu.memory_space<hbm>>
      tpu.enqueue_dma source(%dma_start3A_28 : memref<32x104xi32, #tpu.memory_space<hbm>>) target(%arg5 : memref<32x104xi32, #tpu.memory_space<vmem>>) target_semaphore(%run_scoped3A : memref<!tpu.dma_semaphore, #tpu.memory_space<semaphore_mem>>)
      %dma_wait3A = arith.constant 0 : i32
      %dma_wait3A_29 = arith.constant 0 : i32
      %dma_wait3A_30 = tpu.memref_slice %arg2[%add3A, %dma_wait3A, %dma_wait3A_29] : memref<32x32x104xi32, #tpu.memory_space<hbm>> -> memref<1x32x104xi32, #tpu.memory_space<hbm>>
      %dma_wait3A_31 = tpu.memref_squeeze %dma_wait3A_30 : memref<1x32x104xi32, #tpu.memory_space<hbm>> -> memref<32x104xi32, #tpu.memory_space<hbm>>
      %dma_wait3A_32 = arith.constant 0 : i32
      %dma_wait3A_33 = arith.constant 0 : i32
      %dma_wait3A_34 = tpu.memref_slice %arg2[%add3A, %dma_wait3A_32, %dma_wait3A_33] : memref<32x32x104xi32, #tpu.memory_space<hbm>> -> memref<1x32x104xi32, #tpu.memory_space<hbm>>
      %dma_wait3A_35 = tpu.memref_squeeze %dma_wait3A_34 : memref<1x32x104xi32, #tpu.memory_space<hbm>> -> memref<32x104xi32, #tpu.memory_space<hbm>>
      tpu.wait_dma2 semaphore(%run_scoped3A : memref<!tpu.dma_semaphore, #tpu.memory_space<semaphore_mem>>) src(%dma_wait3A_35 : memref<32x104xi32, #tpu.memory_space<hbm>>) dst(%arg5 : memref<32x104xi32, #tpu.memory_space<vmem>>)
      tpu.yield
    }) : () -> ()
    %dma_start3A = arith.constant 0 : i32
    %dma_start3A_1 = arith.constant 0 : i32
    %dma_start3A_2 = tpu.memref_slice %arg5[%dma_start3A, %dma_start3A_1] : memref<32x104xi32, #tpu.memory_space<vmem>> -> memref<1x104xi32, #tpu.memory_space<vmem>>
    %dma_start3A_3 = tpu.memref_squeeze %dma_start3A_2 : memref<1x104xi32, #tpu.memory_space<vmem>> -> memref<104xi32, #tpu.memory_space<vmem>>
    %dma_start3A_4 = arith.constant 0 : i32
    %dma_start3A_5 = arith.constant 0 : i32
    %dma_start3A_6 = tpu.memref_slice %arg3[%dma_start3A_4, %dma_start3A_5] : memref<26000x128xf32, #tpu.memory_space<hbm>> -> memref<26000x128xf32, #tpu.memory_space<hbm>>
    tpu.enqueue_indirect_dma source(%dma_start3A_6 : memref<26000x128xf32, #tpu.memory_space<hbm>>) target(%arg6 : memref<104x128xf32, #tpu.memory_space<vmem>>) offsets(%dma_start3A_3 : memref<104xi32, #tpu.memory_space<vmem>>) semaphore(%arg9 : memref<!tpu.dma_semaphore, #tpu.memory_space<semaphore_mem>>)
    %dma_start3A_7 = arith.constant 1 : i32
    %dma_start3A_8 = arith.constant 0 : i32
    %dma_start3A_9 = tpu.memref_slice %arg5[%dma_start3A_7, %dma_start3A_8] : memref<32x104xi32, #tpu.memory_space<vmem>> -> memref<1x104xi32, #tpu.memory_space<vmem>>
    %dma_start3A_10 = tpu.memref_squeeze %dma_start3A_9 : memref<1x104xi32, #tpu.memory_space<vmem>> -> memref<104xi32, #tpu.memory_space<vmem>>
    %dma_start3A_11 = arith.constant 0 : i32
    %dma_start3A_12 = arith.constant 0 : i32
    %dma_start3A_13 = tpu.memref_slice %arg3[%dma_start3A_11, %dma_start3A_12] : memref<26000x128xf32, #tpu.memory_space<hbm>> -> memref<26000x128xf32, #tpu.memory_space<hbm>>
    tpu.enqueue_indirect_dma source(%dma_start3A_13 : memref<26000x128xf32, #tpu.memory_space<hbm>>) target(%arg7 : memref<104x128xf32, #tpu.memory_space<vmem>>) offsets(%dma_start3A_10 : memref<104xi32, #tpu.memory_space<vmem>>) semaphore(%arg10 : memref<!tpu.dma_semaphore, #tpu.memory_space<semaphore_mem>>)
    %scan3A = arith.constant 0 : i32
    %scan3A_14 = arith.constant 0 : i32
    %scan3A_15 = arith.constant 16 : i32
    %scan3A_16 = arith.addi %scan3A_14, %scan3A_15 : i32
    %scan3A_17 = arith.constant 1 : i32
    scf.for %scan3A_21 = %scan3A_14 to %scan3A_16 step %scan3A_17  : i32 {
      %mul3A_22 = arith.constant 2 : i32
      %mul3A_23 = arith.muli %scan3A_21, %mul3A_22 : i32
      %add3A_24 = arith.constant 0 : i32
      %add3A_25 = arith.addi %mul3A_23, %add3A_24 : i32
      %dma_wait3A = arith.constant 0 : i32
      %dma_wait3A_26 = tpu.memref_slice %arg5[%add3A_25, %dma_wait3A] : memref<32x104xi32, #tpu.memory_space<vmem>> -> memref<1x104xi32, #tpu.memory_space<vmem>>
      %dma_wait3A_27 = tpu.memref_squeeze %dma_wait3A_26 : memref<1x104xi32, #tpu.memory_space<vmem>> -> memref<104xi32, #tpu.memory_space<vmem>>
      %dma_wait3A_28 = arith.constant 0 : i32
      %dma_wait3A_29 = arith.constant 0 : i32
      %dma_wait3A_30 = tpu.memref_slice %arg3[%dma_wait3A_28, %dma_wait3A_29] : memref<26000x128xf32, #tpu.memory_space<hbm>> -> memref<26000x128xf32, #tpu.memory_space<hbm>>
      tpu.wait_indirect_dma semaphore(%arg9 : memref<!tpu.dma_semaphore, #tpu.memory_space<semaphore_mem>>) src(%dma_wait3A_30 : memref<26000x128xf32, #tpu.memory_space<hbm>>) dst(%arg6 : memref<104x128xf32, #tpu.memory_space<vmem>>)
      %get3A = arith.constant 0 : i32
      %get3A_31 = arith.index_cast %get3A : i32 to index
      %get3A_32 = arith.constant 0 : index
      %get3A_33 = tpu.vector_load %arg6[%get3A_31, %get3A_32] {strides = array<i32>} : memref<104x128xf32, #tpu.memory_space<vmem>>, vector<1x16xf32>,
      %get3A_34 = vector.shape_cast %get3A_33 : vector<1x16xf32> to vector<16xf32>
      %mul3A_35 = arith.constant 4 : i32
      %mul3A_36 = arith.muli %add3A_25, %mul3A_35 : i32
      %add3A_37 = arith.constant 0 : i32
      %add3A_38 = arith.addi %mul3A_36, %add3A_37 : i32
      %swap3A = arith.index_cast %add3A_38 : i32 to index
      %swap3A_39 = arith.constant 0 : index
      %swap3A_40 = tpu.vector_load %arg8[%swap3A, %swap3A_39] {strides = array<i32>} : memref<128x128xf32, #tpu.memory_space<vmem>>, vector<1x16xf32>,
      %swap3A_41 = vector.shape_cast %swap3A_40 : vector<1x16xf32> to vector<16xf32>
      %swap3A_42 = vector.shape_cast %get3A_34 : vector<16xf32> to vector<1x16xf32>
      tpu.vector_store %arg8[%swap3A, %swap3A_39], %swap3A_42 {strides = array<i32>} : memref<128x128xf32, #tpu.memory_space<vmem>>, vector<1x16xf32>,
      %get3A_43 = arith.constant 0 : i32
      %get3A_44 = arith.index_cast %get3A_43 : i32 to index
      %get3A_45 = arith.constant 16 : index
      %get3A_46 = tpu.vector_load %arg6[%get3A_44, %get3A_45] {strides = array<i32>} : memref<104x128xf32, #tpu.memory_space<vmem>>, vector<1x16xf32>,
      %get3A_47 = vector.shape_cast %get3A_46 : vector<1x16xf32> to vector<16xf32>
      %mul3A_48 = arith.constant 4 : i32
      %mul3A_49 = arith.muli %add3A_25, %mul3A_48 : i32
      %add3A_50 = arith.constant 0 : i32
      %add3A_51 = arith.addi %mul3A_49, %add3A_50 : i32
      %swap3A_52 = arith.index_cast %add3A_51 : i32 to index
      %swap3A_53 = arith.constant 16 : index
      %swap3A_54 = tpu.vector_load %arg8[%swap3A_52, %swap3A_53] {strides = array<i32>} : memref<128x128xf32, #tpu.memory_space<vmem>>, vector<1x16xf32>,
      %swap3A_55 = vector.shape_cast %swap3A_54 : vector<1x16xf32> to vector<16xf32>
      %swap3A_56 = vector.shape_cast %get3A_47 : vector<16xf32> to vector<1x16xf32>
      tpu.vector_store %arg8[%swap3A_52, %swap3A_53], %swap3A_56 {strides = array<i32>} : memref<128x128xf32, #tpu.memory_space<vmem>>, vector<1x16xf32>,
      %get3A_57 = arith.constant 0 : i32
      %get3A_58 = arith.index_cast %get3A_57 : i32 to index
      %get3A_59 = arith.constant 32 : index
      %get3A_60 = tpu.vector_load %arg6[%get3A_58, %get3A_59] {strides = array<i32>} : memref<104x128xf32, #tpu.memory_space<vmem>>, vector<1x16xf32>,
      %get3A_61 = vector.shape_cast %get3A_60 : vector<1x16xf32> to vector<16xf32>
      %mul3A_62 = arith.constant 4 : i32
      %mul3A_63 = arith.muli %add3A_25, %mul3A_62 : i32
      %add3A_64 = arith.constant 0 : i32
      %add3A_65 = arith.addi %mul3A_63, %add3A_64 : i32
      %swap3A_66 = arith.index_cast %add3A_65 : i32 to index
      %swap3A_67 = arith.constant 32 : index
      %swap3A_68 = tpu.vector_load %arg8[%swap3A_66, %swap3A_67] {strides = array<i32>} : memref<128x128xf32, #tpu.memory_space<vmem>>, vector<1x16xf32>,
      %swap3A_69 = vector.shape_cast %swap3A_68 : vector<1x16xf32> to vector<16xf32>
      %swap3A_70 = vector.shape_cast %get3A_61 : vector<16xf32> to vector<1x16xf32>
      tpu.vector_store %arg8[%swap3A_66, %swap3A_67], %swap3A_70 {strides = array<i32>} : memref<128x128xf32, #tpu.memory_space<vmem>>, vector<1x16xf32>,
      %get3A_71 = arith.constant 0 : i32
      %get3A_72 = arith.index_cast %get3A_71 : i32 to index
      %get3A_73 = arith.constant 48 : index
      %get3A_74 = tpu.vector_load %arg6[%get3A_72, %get3A_73] {strides = array<i32>} : memref<104x128xf32, #tpu.memory_space<vmem>>, vector<1x16xf32>,
      %get3A_75 = vector.shape_cast %get3A_74 : vector<1x16xf32> to vector<16xf32>
      %mul3A_76 = arith.constant 4 : i32
      %mul3A_77 = arith.muli %add3A_25, %mul3A_76 : i32
      %add3A_78 = arith.constant 0 : i32
      %add3A_79 = arith.addi %mul3A_77, %add3A_78 : i32
      %swap3A_80 = arith.index_cast %add3A_79 : i32 to index
      %swap3A_81 = arith.constant 48 : index
      %swap3A_82 = tpu.vector_load %arg8[%swap3A_80, %swap3A_81] {strides = array<i32>} : memref<128x128xf32, #tpu.memory_space<vmem>>, vector<1x16xf32>,
      %swap3A_83 = vector.shape_cast %swap3A_82 : vector<1x16xf32> to vector<16xf32>
      %swap3A_84 = vector.shape_cast %get3A_75 : vector<16xf32> to vector<1x16xf32>
      tpu.vector_store %arg8[%swap3A_80, %swap3A_81], %swap3A_84 {strides = array<i32>} : memref<128x128xf32, #tpu.memory_space<vmem>>, vector<1x16xf32>,
      %get3A_85 = arith.constant 0 : i32
      %get3A_86 = arith.index_cast %get3A_85 : i32 to index
      %get3A_87 = arith.constant 64 : index
      %get3A_88 = tpu.vector_load %arg6[%get3A_86, %get3A_87] {strides = array<i32>} : memref<104x128xf32, #tpu.memory_space<vmem>>, vector<1x16xf32>,
      %get3A_89 = vector.shape_cast %get3A_88 : vector<1x16xf32> to vector<16xf32>
      %mul3A_90 = arith.constant 4 : i32
      %mul3A_91 = arith.muli %add3A_25, %mul3A_90 : i32
      %add3A_92 = arith.constant 0 : i32
      %add3A_93 = arith.addi %mul3A_91, %add3A_92 : i32
      %swap3A_94 = arith.index_cast %add3A_93 : i32 to index
      %swap3A_95 = arith.constant 64 : index
      %swap3A_96 = tpu.vector_load %arg8[%swap3A_94, %swap3A_95] {strides = array<i32>} : memref<128x128xf32, #tpu.memory_space<vmem>>, vector<1x16xf32>,
      %swap3A_97 = vector.shape_cast %swap3A_96 : vector<1x16xf32> to vector<16xf32>
      %swap3A_98 = vector.shape_cast %get3A_89 : vector<16xf32> to vector<1x16xf32>
      tpu.vector_store %arg8[%swap3A_94, %swap3A_95], %swap3A_98 {strides = array<i32>} : memref<128x128xf32, #tpu.memory_space<vmem>>, vector<1x16xf32>,
      %get3A_99 = arith.constant 0 : i32
      %get3A_100 = arith.index_cast %get3A_99 : i32 to index
      %get3A_101 = arith.constant 80 : index
      %get3A_102 = tpu.vector_load %arg6[%get3A_100, %get3A_101] {strides = array<i32>} : memref<104x128xf32, #tpu.memory_space<vmem>>, vector<1x16xf32>,
      %get3A_103 = vector.shape_cast %get3A_102 : vector<1x16xf32> to vector<16xf32>
      %mul3A_104 = arith.constant 4 : i32
      %mul3A_105 = arith.muli %add3A_25, %mul3A_104 : i32
      %add3A_106 = arith.constant 0 : i32
      %add3A_107 = arith.addi %mul3A_105, %add3A_106 : i32
      %swap3A_108 = arith.index_cast %add3A_107 : i32 to index
      %swap3A_109 = arith.constant 80 : index
      %swap3A_110 = tpu.vector_load %arg8[%swap3A_108, %swap3A_109] {strides = array<i32>} : memref<128x128xf32, #tpu.memory_space<vmem>>, vector<1x16xf32>,
      %swap3A_111 = vector.shape_cast %swap3A_110 : vector<1x16xf32> to vector<16xf32>
      %swap3A_112 = vector.shape_cast %get3A_103 : vector<16xf32> to vector<1x16xf32>
      tpu.vector_store %arg8[%swap3A_108, %swap3A_109], %swap3A_112 {strides = array<i32>} : memref<128x128xf32, #tpu.memory_space<vmem>>, vector<1x16xf32>,
      %get3A_113 = arith.constant 0 : i32
      %get3A_114 = arith.index_cast %get3A_113 : i32 to index
      %get3A_115 = arith.constant 96 : index
      %get3A_116 = tpu.vector_load %arg6[%get3A_114, %get3A_115] {strides = array<i32>} : memref<104x128xf32, #tpu.memory_space<vmem>>, vector<1x16xf32>,
      %get3A_117 = vector.shape_cast %get3A_116 : vector<1x16xf32> to vector<16xf32>
      %mul3A_118 = arith.constant 4 : i32
      %mul3A_119 = arith.muli %add3A_25, %mul3A_118 : i32
      %add3A_120 = arith.constant 0 : i32
      %add3A_121 = arith.addi %mul3A_119, %add3A_120 : i32
      %swap3A_122 = arith.index_cast %add3A_121 : i32 to index
      %swap3A_123 = arith.constant 96 : index
      %swap3A_124 = tpu.vector_load %arg8[%swap3A_122, %swap3A_123] {strides = array<i32>} : memref<128x128xf32, #tpu.memory_space<vmem>>, vector<1x16xf32>,
      %swap3A_125 = vector.shape_cast %swap3A_124 : vector<1x16xf32> to vector<16xf32>
      %swap3A_126 = vector.shape_cast %get3A_117 : vector<16xf32> to vector<1x16xf32>
      tpu.vector_store %arg8[%swap3A_122, %swap3A_123], %swap3A_126 {strides = array<i32>} : memref<128x128xf32, #tpu.memory_space<vmem>>, vector<1x16xf32>,
      %get3A_127 = arith.constant 0 : i32
      %get3A_128 = arith.index_cast %get3A_127 : i32 to index
      %get3A_129 = arith.constant 112 : index
      %get3A_130 = tpu.vector_load %arg6[%get3A_128, %get3A_129] {strides = array<i32>} : memref<104x128xf32, #tpu.memory_space<vmem>>, vector<1x16xf32>,
      %get3A_131 = vector.shape_cast %get3A_130 : vector<1x16xf32> to vector<16xf32>
      %mul3A_132 = arith.constant 4 : i32
      %mul3A_133 = arith.muli %add3A_25, %mul3A_132 : i32
      %add3A_134 = arith.constant 0 : i32
      %add3A_135 = arith.addi %mul3A_133, %add3A_134 : i32
      %swap3A_136 = arith.index_cast %add3A_135 : i32 to index
      %swap3A_137 = arith.constant 112 : index
      %swap3A_138 = tpu.vector_load %arg8[%swap3A_136, %swap3A_137] {strides = array<i32>} : memref<128x128xf32, #tpu.memory_space<vmem>>, vector<1x16xf32>,
      %swap3A_139 = vector.shape_cast %swap3A_138 : vector<1x16xf32> to vector<16xf32>
      %swap3A_140 = vector.shape_cast %get3A_131 : vector<16xf32> to vector<1x16xf32>
      tpu.vector_store %arg8[%swap3A_136, %swap3A_137], %swap3A_140 {strides = array<i32>} : memref<128x128xf32, #tpu.memory_space<vmem>>, vector<1x16xf32>,
      %get3A_141 = arith.constant 26 : i32
      %get3A_142 = arith.index_cast %get3A_141 : i32 to index
      %get3A_143 = arith.constant 0 : index
      %get3A_144 = tpu.vector_load %arg6[%get3A_142, %get3A_143] {strides = array<i32>} : memref<104x128xf32, #tpu.memory_space<vmem>>, vector<1x16xf32>,
      %get3A_145 = vector.shape_cast %get3A_144 : vector<1x16xf32> to vector<16xf32>
      %mul3A_146 = arith.constant 4 : i32
      %mul3A_147 = arith.muli %add3A_25, %mul3A_146 : i32
      %add3A_148 = arith.constant 1 : i32
      %add3A_149 = arith.addi %mul3A_147, %add3A_148 : i32
      %swap3A_150 = arith.index_cast %add3A_149 : i32 to index
      %swap3A_151 = arith.constant 0 : index
      %swap3A_152 = tpu.vector_load %arg8[%swap3A_150, %swap3A_151] {strides = array<i32>} : memref<128x128xf32, #tpu.memory_space<vmem>>, vector<1x16xf32>,
      %swap3A_153 = vector.shape_cast %swap3A_152 : vector<1x16xf32> to vector<16xf32>
      %swap3A_154 = vector.shape_cast %get3A_145 : vector<16xf32> to vector<1x16xf32>
      tpu.vector_store %arg8[%swap3A_150, %swap3A_151], %swap3A_154 {strides = array<i32>} : memref<128x128xf32, #tpu.memory_space<vmem>>, vector<1x16xf32>,
      %get3A_155 = arith.constant 26 : i32
      %get3A_156 = arith.index_cast %get3A_155 : i32 to index
      %get3A_157 = arith.constant 16 : index
      %get3A_158 = tpu.vector_load %arg6[%get3A_156, %get3A_157] {strides = array<i32>} : memref<104x128xf32, #tpu.memory_space<vmem>>, vector<1x16xf32>,
      %get3A_159 = vector.shape_cast %get3A_158 : vector<1x16xf32> to vector<16xf32>
      %mul3A_160 = arith.constant 4 : i32
      %mul3A_161 = arith.muli %add3A_25, %mul3A_160 : i32
      %add3A_162 = arith.constant 1 : i32
      %add3A_163 = arith.addi %mul3A_161, %add3A_162 : i32
      %swap3A_164 = arith.index_cast %add3A_163 : i32 to index
      %swap3A_165 = arith.constant 16 : index
      %swap3A_166 = tpu.vector_load %arg8[%swap3A_164, %swap3A_165] {strides = array<i32>} : memref<128x128xf32, #tpu.memory_space<vmem>>, vector<1x16xf32>,
      %swap3A_167 = vector.shape_cast %swap3A_166 : vector<1x16xf32> to vector<16xf32>
      %swap3A_168 = vector.shape_cast %get3A_159 : vector<16xf32> to vector<1x16xf32>
      tpu.vector_store %arg8[%swap3A_164, %swap3A_165], %swap3A_168 {strides = array<i32>} : memref<128x128xf32, #tpu.memory_space<vmem>>, vector<1x16xf32>,
      %get3A_169 = arith.constant 26 : i32
      %get3A_170 = arith.index_cast %get3A_169 : i32 to index
      %get3A_171 = arith.constant 32 : index
      %get3A_172 = tpu.vector_load %arg6[%get3A_170, %get3A_171] {strides = array<i32>} : memref<104x128xf32, #tpu.memory_space<vmem>>, vector<1x16xf32>,
      %get3A_173 = vector.shape_cast %get3A_172 : vector<1x16xf32> to vector<16xf32>
      %mul3A_174 = arith.constant 4 : i32
      %mul3A_175 = arith.muli %add3A_25, %mul3A_174 : i32
      %add3A_176 = arith.constant 1 : i32
      %add3A_177 = arith.addi %mul3A_175, %add3A_176 : i32
      %swap3A_178 = arith.index_cast %add3A_177 : i32 to index
      %swap3A_179 = arith.constant 32 : index
      %swap3A_180 = tpu.vector_load %arg8[%swap3A_178, %swap3A_179] {strides = array<i32>} : memref<128x128xf32, #tpu.memory_space<vmem>>, vector<1x16xf32>,
      %swap3A_181 = vector.shape_cast %swap3A_180 : vector<1x16xf32> to vector<16xf32>
      %swap3A_182 = vector.shape_cast %get3A_173 : vector<16xf32> to vector<1x16xf32>
      tpu.vector_store %arg8[%swap3A_178, %swap3A_179], %swap3A_182 {strides = array<i32>} : memref<128x128xf32, #tpu.memory_space<vmem>>, vector<1x16xf32>,
      %get3A_183 = arith.constant 26 : i32
      %get3A_184 = arith.index_cast %get3A_183 : i32 to index
      %get3A_185 = arith.constant 48 : index
      %get3A_186 = tpu.vector_load %arg6[%get3A_184, %get3A_185] {strides = array<i32>} : memref<104x128xf32, #tpu.memory_space<vmem>>, vector<1x16xf32>,
      %get3A_187 = vector.shape_cast %get3A_186 : vector<1x16xf32> to vector<16xf32>
      %mul3A_188 = arith.constant 4 : i32
      %mul3A_189 = arith.muli %add3A_25, %mul3A_188 : i32
      %add3A_190 = arith.constant 1 : i32
      %add3A_191 = arith.addi %mul3A_189, %add3A_190 : i32
      %swap3A_192 = arith.index_cast %add3A_191 : i32 to index
      %swap3A_193 = arith.constant 48 : index
      %swap3A_194 = tpu.vector_load %arg8[%swap3A_192, %swap3A_193] {strides = array<i32>} : memref<128x128xf32, #tpu.memory_space<vmem>>, vector<1x16xf32>,
      %swap3A_195 = vector.shape_cast %swap3A_194 : vector<1x16xf32> to vector<16xf32>
      %swap3A_196 = vector.shape_cast %get3A_187 : vector<16xf32> to vector<1x16xf32>
      tpu.vector_store %arg8[%swap3A_192, %swap3A_193], %swap3A_196 {strides = array<i32>} : memref<128x128xf32, #tpu.memory_space<vmem>>, vector<1x16xf32>,
      %get3A_197 = arith.constant 26 : i32
      %get3A_198 = arith.index_cast %get3A_197 : i32 to index
      %get3A_199 = arith.constant 64 : index
      %get3A_200 = tpu.vector_load %arg6[%get3A_198, %get3A_199] {strides = array<i32>} : memref<104x128xf32, #tpu.memory_space<vmem>>, vector<1x16xf32>,
      %get3A_201 = vector.shape_cast %get3A_200 : vector<1x16xf32> to vector<16xf32>
      %mul3A_202 = arith.constant 4 : i32
      %mul3A_203 = arith.muli %add3A_25, %mul3A_202 : i32
      %add3A_204 = arith.constant 1 : i32
      %add3A_205 = arith.addi %mul3A_203, %add3A_204 : i32
      %swap3A_206 = arith.index_cast %add3A_205 : i32 to index
      %swap3A_207 = arith.constant 64 : index
      %swap3A_208 = tpu.vector_load %arg8[%swap3A_206, %swap3A_207] {strides = array<i32>} : memref<128x128xf32, #tpu.memory_space<vmem>>, vector<1x16xf32>,
      %swap3A_209 = vector.shape_cast %swap3A_208 : vector<1x16xf32> to vector<16xf32>
      %swap3A_210 = vector.shape_cast %get3A_201 : vector<16xf32> to vector<1x16xf32>
      tpu.vector_store %arg8[%swap3A_206, %swap3A_207], %swap3A_210 {strides = array<i32>} : memref<128x128xf32, #tpu.memory_space<vmem>>, vector<1x16xf32>,
      %get3A_211 = arith.constant 26 : i32
      %get3A_212 = arith.index_cast %get3A_211 : i32 to index
      %get3A_213 = arith.constant 80 : index
      %get3A_214 = tpu.vector_load %arg6[%get3A_212, %get3A_213] {strides = array<i32>} : memref<104x128xf32, #tpu.memory_space<vmem>>, vector<1x16xf32>,
      %get3A_215 = vector.shape_cast %get3A_214 : vector<1x16xf32> to vector<16xf32>
      %mul3A_216 = arith.constant 4 : i32
      %mul3A_217 = arith.muli %add3A_25, %mul3A_216 : i32
      %add3A_218 = arith.constant 1 : i32
      %add3A_219 = arith.addi %mul3A_217, %add3A_218 : i32
      %swap3A_220 = arith.index_cast %add3A_219 : i32 to index
      %swap3A_221 = arith.constant 80 : index
      %swap3A_222 = tpu.vector_load %arg8[%swap3A_220, %swap3A_221] {strides = array<i32>} : memref<128x128xf32, #tpu.memory_space<vmem>>, vector<1x16xf32>,
      %swap3A_223 = vector.shape_cast %swap3A_222 : vector<1x16xf32> to vector<16xf32>
      %swap3A_224 = vector.shape_cast %get3A_215 : vector<16xf32> to vector<1x16xf32>
      tpu.vector_store %arg8[%swap3A_220, %swap3A_221], %swap3A_224 {strides = array<i32>} : memref<128x128xf32, #tpu.memory_space<vmem>>, vector<1x16xf32>,
      %get3A_225 = arith.constant 26 : i32
      %get3A_226 = arith.index_cast %get3A_225 : i32 to index
      %get3A_227 = arith.constant 96 : index
      %get3A_228 = tpu.vector_load %arg6[%get3A_226, %get3A_227] {strides = array<i32>} : memref<104x128xf32, #tpu.memory_space<vmem>>, vector<1x16xf32>,
      %get3A_229 = vector.shape_cast %get3A_228 : vector<1x16xf32> to vector<16xf32>
      %mul3A_230 = arith.constant 4 : i32
      %mul3A_231 = arith.muli %add3A_25, %mul3A_230 : i32
      %add3A_232 = arith.constant 1 : i32
      %add3A_233 = arith.addi %mul3A_231, %add3A_232 : i32
      %swap3A_234 = arith.index_cast %add3A_233 : i32 to index
      %swap3A_235 = arith.constant 96 : index
      %swap3A_236 = tpu.vector_load %arg8[%swap3A_234, %swap3A_235] {strides = array<i32>} : memref<128x128xf32, #tpu.memory_space<vmem>>, vector<1x16xf32>,
      %swap3A_237 = vector.shape_cast %swap3A_236 : vector<1x16xf32> to vector<16xf32>
      %swap3A_238 = vector.shape_cast %get3A_229 : vector<16xf32> to vector<1x16xf32>
      tpu.vector_store %arg8[%swap3A_234, %swap3A_235], %swap3A_238 {strides = array<i32>} : memref<128x128xf32, #tpu.memory_space<vmem>>, vector<1x16xf32>,
      %get3A_239 = arith.constant 26 : i32
      %get3A_240 = arith.index_cast %get3A_239 : i32 to index
      %get3A_241 = arith.constant 112 : index
      %get3A_242 = tpu.vector_load %arg6[%get3A_240, %get3A_241] {strides = array<i32>} : memref<104x128xf32, #tpu.memory_space<vmem>>, vector<1x16xf32>,
      %get3A_243 = vector.shape_cast %get3A_242 : vector<1x16xf32> to vector<16xf32>
      %mul3A_244 = arith.constant 4 : i32
      %mul3A_245 = arith.muli %add3A_25, %mul3A_244 : i32
      %add3A_246 = arith.constant 1 : i32
      %add3A_247 = arith.addi %mul3A_245, %add3A_246 : i32
      %swap3A_248 = arith.index_cast %add3A_247 : i32 to index
      %swap3A_249 = arith.constant 112 : index
      %swap3A_250 = tpu.vector_load %arg8[%swap3A_248, %swap3A_249] {strides = array<i32>} : memref<128x128xf32, #tpu.memory_space<vmem>>, vector<1x16xf32>,
      %swap3A_251 = vector.shape_cast %swap3A_250 : vector<1x16xf32> to vector<16xf32>
      %swap3A_252 = vector.shape_cast %get3A_243 : vector<16xf32> to vector<1x16xf32>
      tpu.vector_store %arg8[%swap3A_248, %swap3A_249], %swap3A_252 {strides = array<i32>} : memref<128x128xf32, #tpu.memory_space<vmem>>, vector<1x16xf32>,
      %get3A_253 = arith.constant 52 : i32
      %get3A_254 = arith.index_cast %get3A_253 : i32 to index
      %get3A_255 = arith.constant 0 : index
      %get3A_256 = tpu.vector_load %arg6[%get3A_254, %get3A_255] {strides = array<i32>} : memref<104x128xf32, #tpu.memory_space<vmem>>, vector<1x16xf32>,
      %get3A_257 = vector.shape_cast %get3A_256 : vector<1x16xf32> to vector<16xf32>
      %mul3A_258 = arith.constant 4 : i32
      %mul3A_259 = arith.muli %add3A_25, %mul3A_258 : i32
      %add3A_260 = arith.constant 2 : i32
      %add3A_261 = arith.addi %mul3A_259, %add3A_260 : i32
      %swap3A_262 = arith.index_cast %add3A_261 : i32 to index
      %swap3A_263 = arith.constant 0 : index
      %swap3A_264 = tpu.vector_load %arg8[%swap3A_262, %swap3A_263] {strides = array<i32>} : memref<128x128xf32, #tpu.memory_space<vmem>>, vector<1x16xf32>,
      %swap3A_265 = vector.shape_cast %swap3A_264 : vector<1x16xf32> to vector<16xf32>
      %swap3A_266 = vector.shape_cast %get3A_257 : vector<16xf32> to vector<1x16xf32>
      tpu.vector_store %arg8[%swap3A_262, %swap3A_263], %swap3A_266 {strides = array<i32>} : memref<128x128xf32, #tpu.memory_space<vmem>>, vector<1x16xf32>,
      %get3A_267 = arith.constant 52 : i32
      %get3A_268 = arith.index_cast %get3A_267 : i32 to index
      %get3A_269 = arith.constant 16 : index
      %get3A_270 = tpu.vector_load %arg6[%get3A_268, %get3A_269] {strides = array<i32>} : memref<104x128xf32, #tpu.memory_space<vmem>>, vector<1x16xf32>,
      %get3A_271 = vector.shape_cast %get3A_270 : vector<1x16xf32> to vector<16xf32>
      %mul3A_272 = arith.constant 4 : i32
      %mul3A_273 = arith.muli %add3A_25, %mul3A_272 : i32
      %add3A_274 = arith.constant 2 : i32
      %add3A_275 = arith.addi %mul3A_273, %add3A_274 : i32
      %swap3A_276 = arith.index_cast %add3A_275 : i32 to index
      %swap3A_277 = arith.constant 16 : index
      %swap3A_278 = tpu.vector_load %arg8[%swap3A_276, %swap3A_277] {strides = array<i32>} : memref<128x128xf32, #tpu.memory_space<vmem>>, vector<1x16xf32>,
      %swap3A_279 = vector.shape_cast %swap3A_278 : vector<1x16xf32> to vector<16xf32>
      %swap3A_280 = vector.shape_cast %get3A_271 : vector<16xf32> to vector<1x16xf32>
      tpu.vector_store %arg8[%swap3A_276, %swap3A_277], %swap3A_280 {strides = array<i32>} : memref<128x128xf32, #tpu.memory_space<vmem>>, vector<1x16xf32>,
      %get3A_281 = arith.constant 52 : i32
      %get3A_282 = arith.index_cast %get3A_281 : i32 to index
      %get3A_283 = arith.constant 32 : index
      %get3A_284 = tpu.vector_load %arg6[%get3A_282, %get3A_283] {strides = array<i32>} : memref<104x128xf32, #tpu.memory_space<vmem>>, vector<1x16xf32>,
      %get3A_285 = vector.shape_cast %get3A_284 : vector<1x16xf32> to vector<16xf32>
      %mul3A_286 = arith.constant 4 : i32
      %mul3A_287 = arith.muli %add3A_25, %mul3A_286 : i32
      %add3A_288 = arith.constant 2 : i32
      %add3A_289 = arith.addi %mul3A_287, %add3A_288 : i32
      %swap3A_290 = arith.index_cast %add3A_289 : i32 to index
      %swap3A_291 = arith.constant 32 : index
      %swap3A_292 = tpu.vector_load %arg8[%swap3A_290, %swap3A_291] {strides = array<i32>} : memref<128x128xf32, #tpu.memory_space<vmem>>, vector<1x16xf32>,
      %swap3A_293 = vector.shape_cast %swap3A_292 : vector<1x16xf32> to vector<16xf32>
      %swap3A_294 = vector.shape_cast %get3A_285 : vector<16xf32> to vector<1x16xf32>
      tpu.vector_store %arg8[%swap3A_290, %swap3A_291], %swap3A_294 {strides = array<i32>} : memref<128x128xf32, #tpu.memory_space<vmem>>, vector<1x16xf32>,
      %get3A_295 = arith.constant 52 : i32
      %get3A_296 = arith.index_cast %get3A_295 : i32 to index
      %get3A_297 = arith.constant 48 : index
      %get3A_298 = tpu.vector_load %arg6[%get3A_296, %get3A_297] {strides = array<i32>} : memref<104x128xf32, #tpu.memory_space<vmem>>, vector<1x16xf32>,
      %get3A_299 = vector.shape_cast %get3A_298 : vector<1x16xf32> to vector<16xf32>
      %mul3A_300 = arith.constant 4 : i32
      %mul3A_301 = arith.muli %add3A_25, %mul3A_300 : i32
      %add3A_302 = arith.constant 2 : i32
      %add3A_303 = arith.addi %mul3A_301, %add3A_302 : i32
      %swap3A_304 = arith.index_cast %add3A_303 : i32 to index
      %swap3A_305 = arith.constant 48 : index
      %swap3A_306 = tpu.vector_load %arg8[%swap3A_304, %swap3A_305] {strides = array<i32>} : memref<128x128xf32, #tpu.memory_space<vmem>>, vector<1x16xf32>,
      %swap3A_307 = vector.shape_cast %swap3A_306 : vector<1x16xf32> to vector<16xf32>
      %swap3A_308 = vector.shape_cast %get3A_299 : vector<16xf32> to vector<1x16xf32>
      tpu.vector_store %arg8[%swap3A_304, %swap3A_305], %swap3A_308 {strides = array<i32>} : memref<128x128xf32, #tpu.memory_space<vmem>>, vector<1x16xf32>,
      %get3A_309 = arith.constant 52 : i32
      %get3A_310 = arith.index_cast %get3A_309 : i32 to index
      %get3A_311 = arith.constant 64 : index
      %get3A_312 = tpu.vector_load %arg6[%get3A_310, %get3A_311] {strides = array<i32>} : memref<104x128xf32, #tpu.memory_space<vmem>>, vector<1x16xf32>,
      %get3A_313 = vector.shape_cast %get3A_312 : vector<1x16xf32> to vector<16xf32>
      %mul3A_314 = arith.constant 4 : i32
      %mul3A_315 = arith.muli %add3A_25, %mul3A_314 : i32
      %add3A_316 = arith.constant 2 : i32
      %add3A_317 = arith.addi %mul3A_315, %add3A_316 : i32
      %swap3A_318 = arith.index_cast %add3A_317 : i32 to index
      %swap3A_319 = arith.constant 64 : index
      %swap3A_320 = tpu.vector_load %arg8[%swap3A_318, %swap3A_319] {strides = array<i32>} : memref<128x128xf32, #tpu.memory_space<vmem>>, vector<1x16xf32>,
      %swap3A_321 = vector.shape_cast %swap3A_320 : vector<1x16xf32> to vector<16xf32>
      %swap3A_322 = vector.shape_cast %get3A_313 : vector<16xf32> to vector<1x16xf32>
      tpu.vector_store %arg8[%swap3A_318, %swap3A_319], %swap3A_322 {strides = array<i32>} : memref<128x128xf32, #tpu.memory_space<vmem>>, vector<1x16xf32>,
      %get3A_323 = arith.constant 52 : i32
      %get3A_324 = arith.index_cast %get3A_323 : i32 to index
      %get3A_325 = arith.constant 80 : index
      %get3A_326 = tpu.vector_load %arg6[%get3A_324, %get3A_325] {strides = array<i32>} : memref<104x128xf32, #tpu.memory_space<vmem>>, vector<1x16xf32>,
      %get3A_327 = vector.shape_cast %get3A_326 : vector<1x16xf32> to vector<16xf32>
      %mul3A_328 = arith.constant 4 : i32
      %mul3A_329 = arith.muli %add3A_25, %mul3A_328 : i32
      %add3A_330 = arith.constant 2 : i32
      %add3A_331 = arith.addi %mul3A_329, %add3A_330 : i32
      %swap3A_332 = arith.index_cast %add3A_331 : i32 to index
      %swap3A_333 = arith.constant 80 : index
      %swap3A_334 = tpu.vector_load %arg8[%swap3A_332, %swap3A_333] {strides = array<i32>} : memref<128x128xf32, #tpu.memory_space<vmem>>, vector<1x16xf32>,
      %swap3A_335 = vector.shape_cast %swap3A_334 : vector<1x16xf32> to vector<16xf32>
      %swap3A_336 = vector.shape_cast %get3A_327 : vector<16xf32> to vector<1x16xf32>
      tpu.vector_store %arg8[%swap3A_332, %swap3A_333], %swap3A_336 {strides = array<i32>} : memref<128x128xf32, #tpu.memory_space<vmem>>, vector<1x16xf32>,
      %get3A_337 = arith.constant 52 : i32
      %get3A_338 = arith.index_cast %get3A_337 : i32 to index
      %get3A_339 = arith.constant 96 : index
      %get3A_340 = tpu.vector_load %arg6[%get3A_338, %get3A_339] {strides = array<i32>} : memref<104x128xf32, #tpu.memory_space<vmem>>, vector<1x16xf32>,
      %get3A_341 = vector.shape_cast %get3A_340 : vector<1x16xf32> to vector<16xf32>
      %mul3A_342 = arith.constant 4 : i32
      %mul3A_343 = arith.muli %add3A_25, %mul3A_342 : i32
      %add3A_344 = arith.constant 2 : i32
      %add3A_345 = arith.addi %mul3A_343, %add3A_344 : i32
      %swap3A_346 = arith.index_cast %add3A_345 : i32 to index
      %swap3A_347 = arith.constant 96 : index
      %swap3A_348 = tpu.vector_load %arg8[%swap3A_346, %swap3A_347] {strides = array<i32>} : memref<128x128xf32, #tpu.memory_space<vmem>>, vector<1x16xf32>,
      %swap3A_349 = vector.shape_cast %swap3A_348 : vector<1x16xf32> to vector<16xf32>
      %swap3A_350 = vector.shape_cast %get3A_341 : vector<16xf32> to vector<1x16xf32>
      tpu.vector_store %arg8[%swap3A_346, %swap3A_347], %swap3A_350 {strides = array<i32>} : memref<128x128xf32, #tpu.memory_space<vmem>>, vector<1x16xf32>,
      %get3A_351 = arith.constant 52 : i32
      %get3A_352 = arith.index_cast %get3A_351 : i32 to index
      %get3A_353 = arith.constant 112 : index
      %get3A_354 = tpu.vector_load %arg6[%get3A_352, %get3A_353] {strides = array<i32>} : memref<104x128xf32, #tpu.memory_space<vmem>>, vector<1x16xf32>,
      %get3A_355 = vector.shape_cast %get3A_354 : vector<1x16xf32> to vector<16xf32>
      %mul3A_356 = arith.constant 4 : i32
      %mul3A_357 = arith.muli %add3A_25, %mul3A_356 : i32
      %add3A_358 = arith.constant 2 : i32
      %add3A_359 = arith.addi %mul3A_357, %add3A_358 : i32
      %swap3A_360 = arith.index_cast %add3A_359 : i32 to index
      %swap3A_361 = arith.constant 112 : index
      %swap3A_362 = tpu.vector_load %arg8[%swap3A_360, %swap3A_361] {strides = array<i32>} : memref<128x128xf32, #tpu.memory_space<vmem>>, vector<1x16xf32>,
      %swap3A_363 = vector.shape_cast %swap3A_362 : vector<1x16xf32> to vector<16xf32>
      %swap3A_364 = vector.shape_cast %get3A_355 : vector<16xf32> to vector<1x16xf32>
      tpu.vector_store %arg8[%swap3A_360, %swap3A_361], %swap3A_364 {strides = array<i32>} : memref<128x128xf32, #tpu.memory_space<vmem>>, vector<1x16xf32>,
      %get3A_365 = arith.constant 78 : i32
      %get3A_366 = arith.index_cast %get3A_365 : i32 to index
      %get3A_367 = arith.constant 0 : index
      %get3A_368 = tpu.vector_load %arg6[%get3A_366, %get3A_367] {strides = array<i32>} : memref<104x128xf32, #tpu.memory_space<vmem>>, vector<1x16xf32>,
      %get3A_369 = vector.shape_cast %get3A_368 : vector<1x16xf32> to vector<16xf32>
      %mul3A_370 = arith.constant 4 : i32
      %mul3A_371 = arith.muli %add3A_25, %mul3A_370 : i32
      %add3A_372 = arith.constant 3 : i32
      %add3A_373 = arith.addi %mul3A_371, %add3A_372 : i32
      %swap3A_374 = arith.index_cast %add3A_373 : i32 to index
      %swap3A_375 = arith.constant 0 : index
      %swap3A_376 = tpu.vector_load %arg8[%swap3A_374, %swap3A_375] {strides = array<i32>} : memref<128x128xf32, #tpu.memory_space<vmem>>, vector<1x16xf32>,
      %swap3A_377 = vector.shape_cast %swap3A_376 : vector<1x16xf32> to vector<16xf32>
      %swap3A_378 = vector.shape_cast %get3A_369 : vector<16xf32> to vector<1x16xf32>
      tpu.vector_store %arg8[%swap3A_374, %swap3A_375], %swap3A_378 {strides = array<i32>} : memref<128x128xf32, #tpu.memory_space<vmem>>, vector<1x16xf32>,
      %get3A_379 = arith.constant 78 : i32
      %get3A_380 = arith.index_cast %get3A_379 : i32 to index
      %get3A_381 = arith.constant 16 : index
      %get3A_382 = tpu.vector_load %arg6[%get3A_380, %get3A_381] {strides = array<i32>} : memref<104x128xf32, #tpu.memory_space<vmem>>, vector<1x16xf32>,
      %get3A_383 = vector.shape_cast %get3A_382 : vector<1x16xf32> to vector<16xf32>
      %mul3A_384 = arith.constant 4 : i32
      %mul3A_385 = arith.muli %add3A_25, %mul3A_384 : i32
      %add3A_386 = arith.constant 3 : i32
      %add3A_387 = arith.addi %mul3A_385, %add3A_386 : i32
      %swap3A_388 = arith.index_cast %add3A_387 : i32 to index
      %swap3A_389 = arith.constant 16 : index
      %swap3A_390 = tpu.vector_load %arg8[%swap3A_388, %swap3A_389] {strides = array<i32>} : memref<128x128xf32, #tpu.memory_space<vmem>>, vector<1x16xf32>,
      %swap3A_391 = vector.shape_cast %swap3A_390 : vector<1x16xf32> to vector<16xf32>
      %swap3A_392 = vector.shape_cast %get3A_383 : vector<16xf32> to vector<1x16xf32>
      tpu.vector_store %arg8[%swap3A_388, %swap3A_389], %swap3A_392 {strides = array<i32>} : memref<128x128xf32, #tpu.memory_space<vmem>>, vector<1x16xf32>,
      %get3A_393 = arith.constant 78 : i32
      %get3A_394 = arith.index_cast %get3A_393 : i32 to index
      %get3A_395 = arith.constant 32 : index
      %get3A_396 = tpu.vector_load %arg6[%get3A_394, %get3A_395] {strides = array<i32>} : memref<104x128xf32, #tpu.memory_space<vmem>>, vector<1x16xf32>,
      %get3A_397 = vector.shape_cast %get3A_396 : vector<1x16xf32> to vector<16xf32>
      %mul3A_398 = arith.constant 4 : i32
      %mul3A_399 = arith.muli %add3A_25, %mul3A_398 : i32
      %add3A_400 = arith.constant 3 : i32
      %add3A_401 = arith.addi %mul3A_399, %add3A_400 : i32
      %swap3A_402 = arith.index_cast %add3A_401 : i32 to index
      %swap3A_403 = arith.constant 32 : index
      %swap3A_404 = tpu.vector_load %arg8[%swap3A_402, %swap3A_403] {strides = array<i32>} : memref<128x128xf32, #tpu.memory_space<vmem>>, vector<1x16xf32>,
      %swap3A_405 = vector.shape_cast %swap3A_404 : vector<1x16xf32> to vector<16xf32>
      %swap3A_406 = vector.shape_cast %get3A_397 : vector<16xf32> to vector<1x16xf32>
      tpu.vector_store %arg8[%swap3A_402, %swap3A_403], %swap3A_406 {strides = array<i32>} : memref<128x128xf32, #tpu.memory_space<vmem>>, vector<1x16xf32>,
      %get3A_407 = arith.constant 78 : i32
      %get3A_408 = arith.index_cast %get3A_407 : i32 to index
      %get3A_409 = arith.constant 48 : index
      %get3A_410 = tpu.vector_load %arg6[%get3A_408, %get3A_409] {strides = array<i32>} : memref<104x128xf32, #tpu.memory_space<vmem>>, vector<1x16xf32>,
      %get3A_411 = vector.shape_cast %get3A_410 : vector<1x16xf32> to vector<16xf32>
      %mul3A_412 = arith.constant 4 : i32
      %mul3A_413 = arith.muli %add3A_25, %mul3A_412 : i32
      %add3A_414 = arith.constant 3 : i32
      %add3A_415 = arith.addi %mul3A_413, %add3A_414 : i32
      %swap3A_416 = arith.index_cast %add3A_415 : i32 to index
      %swap3A_417 = arith.constant 48 : index
      %swap3A_418 = tpu.vector_load %arg8[%swap3A_416, %swap3A_417] {strides = array<i32>} : memref<128x128xf32, #tpu.memory_space<vmem>>, vector<1x16xf32>,
      %swap3A_419 = vector.shape_cast %swap3A_418 : vector<1x16xf32> to vector<16xf32>
      %swap3A_420 = vector.shape_cast %get3A_411 : vector<16xf32> to vector<1x16xf32>
      tpu.vector_store %arg8[%swap3A_416, %swap3A_417], %swap3A_420 {strides = array<i32>} : memref<128x128xf32, #tpu.memory_space<vmem>>, vector<1x16xf32>,
      %get3A_421 = arith.constant 78 : i32
      %get3A_422 = arith.index_cast %get3A_421 : i32 to index
      %get3A_423 = arith.constant 64 : index
      %get3A_424 = tpu.vector_load %arg6[%get3A_422, %get3A_423] {strides = array<i32>} : memref<104x128xf32, #tpu.memory_space<vmem>>, vector<1x16xf32>,
      %get3A_425 = vector.shape_cast %get3A_424 : vector<1x16xf32> to vector<16xf32>
      %mul3A_426 = arith.constant 4 : i32
      %mul3A_427 = arith.muli %add3A_25, %mul3A_426 : i32
      %add3A_428 = arith.constant 3 : i32
      %add3A_429 = arith.addi %mul3A_427, %add3A_428 : i32
      %swap3A_430 = arith.index_cast %add3A_429 : i32 to index
      %swap3A_431 = arith.constant 64 : index
      %swap3A_432 = tpu.vector_load %arg8[%swap3A_430, %swap3A_431] {strides = array<i32>} : memref<128x128xf32, #tpu.memory_space<vmem>>, vector<1x16xf32>,
      %swap3A_433 = vector.shape_cast %swap3A_432 : vector<1x16xf32> to vector<16xf32>
      %swap3A_434 = vector.shape_cast %get3A_425 : vector<16xf32> to vector<1x16xf32>
      tpu.vector_store %arg8[%swap3A_430, %swap3A_431], %swap3A_434 {strides = array<i32>} : memref<128x128xf32, #tpu.memory_space<vmem>>, vector<1x16xf32>,
      %get3A_435 = arith.constant 78 : i32
      %get3A_436 = arith.index_cast %get3A_435 : i32 to index
      %get3A_437 = arith.constant 80 : index
      %get3A_438 = tpu.vector_load %arg6[%get3A_436, %get3A_437] {strides = array<i32>} : memref<104x128xf32, #tpu.memory_space<vmem>>, vector<1x16xf32>,
      %get3A_439 = vector.shape_cast %get3A_438 : vector<1x16xf32> to vector<16xf32>
      %mul3A_440 = arith.constant 4 : i32
      %mul3A_441 = arith.muli %add3A_25, %mul3A_440 : i32
      %add3A_442 = arith.constant 3 : i32
      %add3A_443 = arith.addi %mul3A_441, %add3A_442 : i32
      %swap3A_444 = arith.index_cast %add3A_443 : i32 to index
      %swap3A_445 = arith.constant 80 : index
      %swap3A_446 = tpu.vector_load %arg8[%swap3A_444, %swap3A_445] {strides = array<i32>} : memref<128x128xf32, #tpu.memory_space<vmem>>, vector<1x16xf32>,
      %swap3A_447 = vector.shape_cast %swap3A_446 : vector<1x16xf32> to vector<16xf32>
      %swap3A_448 = vector.shape_cast %get3A_439 : vector<16xf32> to vector<1x16xf32>
      tpu.vector_store %arg8[%swap3A_444, %swap3A_445], %swap3A_448 {strides = array<i32>} : memref<128x128xf32, #tpu.memory_space<vmem>>, vector<1x16xf32>,
      %get3A_449 = arith.constant 78 : i32
      %get3A_450 = arith.index_cast %get3A_449 : i32 to index
      %get3A_451 = arith.constant 96 : index
      %get3A_452 = tpu.vector_load %arg6[%get3A_450, %get3A_451] {strides = array<i32>} : memref<104x128xf32, #tpu.memory_space<vmem>>, vector<1x16xf32>,
      %get3A_453 = vector.shape_cast %get3A_452 : vector<1x16xf32> to vector<16xf32>
      %mul3A_454 = arith.constant 4 : i32
      %mul3A_455 = arith.muli %add3A_25, %mul3A_454 : i32
      %add3A_456 = arith.constant 3 : i32
      %add3A_457 = arith.addi %mul3A_455, %add3A_456 : i32
      %swap3A_458 = arith.index_cast %add3A_457 : i32 to index
      %swap3A_459 = arith.constant 96 : index
      %swap3A_460 = tpu.vector_load %arg8[%swap3A_458, %swap3A_459] {strides = array<i32>} : memref<128x128xf32, #tpu.memory_space<vmem>>, vector<1x16xf32>,
      %swap3A_461 = vector.shape_cast %swap3A_460 : vector<1x16xf32> to vector<16xf32>
      %swap3A_462 = vector.shape_cast %get3A_453 : vector<16xf32> to vector<1x16xf32>
      tpu.vector_store %arg8[%swap3A_458, %swap3A_459], %swap3A_462 {strides = array<i32>} : memref<128x128xf32, #tpu.memory_space<vmem>>, vector<1x16xf32>,
      %get3A_463 = arith.constant 78 : i32
      %get3A_464 = arith.index_cast %get3A_463 : i32 to index
      %get3A_465 = arith.constant 112 : index
      %get3A_466 = tpu.vector_load %arg6[%get3A_464, %get3A_465] {strides = array<i32>} : memref<104x128xf32, #tpu.memory_space<vmem>>, vector<1x16xf32>,
      %get3A_467 = vector.shape_cast %get3A_466 : vector<1x16xf32> to vector<16xf32>
      %mul3A_468 = arith.constant 4 : i32
      %mul3A_469 = arith.muli %add3A_25, %mul3A_468 : i32
      %add3A_470 = arith.constant 3 : i32
      %add3A_471 = arith.addi %mul3A_469, %add3A_470 : i32
      %swap3A_472 = arith.index_cast %add3A_471 : i32 to index
      %swap3A_473 = arith.constant 112 : index
      %swap3A_474 = tpu.vector_load %arg8[%swap3A_472, %swap3A_473] {strides = array<i32>} : memref<128x128xf32, #tpu.memory_space<vmem>>, vector<1x16xf32>,
      %swap3A_475 = vector.shape_cast %swap3A_474 : vector<1x16xf32> to vector<16xf32>
      %swap3A_476 = vector.shape_cast %get3A_467 : vector<16xf32> to vector<1x16xf32>
      tpu.vector_store %arg8[%swap3A_472, %swap3A_473], %swap3A_476 {strides = array<i32>} : memref<128x128xf32, #tpu.memory_space<vmem>>, vector<1x16xf32>,
      %add3A_477 = arith.constant 2 : i32
      %add3A_478 = arith.addi %add3A_25, %add3A_477 : i32
      %lt3A = arith.constant 32 : i32
      %lt3A_479 = arith.cmpi slt, %add3A_478, %lt3A : i32
      %convert_element_type3A = arith.extui %lt3A_479 : i1 to i32
      %cond3A = arith.constant 0 : i32
      %cond3A_480 = arith.cmpi ne, %convert_element_type3A, %cond3A : i32
      scf.if %cond3A_480 {
        %dma_start3A_946 = arith.constant 0 : i32
        %dma_start3A_947 = tpu.memref_slice %arg5[%add3A_478, %dma_start3A_946] : memref<32x104xi32, #tpu.memory_space<vmem>> -> memref<1x104xi32, #tpu.memory_space<vmem>>
        %dma_start3A_948 = tpu.memref_squeeze %dma_start3A_947 : memref<1x104xi32, #tpu.memory_space<vmem>> -> memref<104xi32, #tpu.memory_space<vmem>>
        %dma_start3A_949 = arith.constant 0 : i32
        %dma_start3A_950 = arith.constant 0 : i32
        %dma_start3A_951 = tpu.memref_slice %arg3[%dma_start3A_949, %dma_start3A_950] : memref<26000x128xf32, #tpu.memory_space<hbm>> -> memref<26000x128xf32, #tpu.memory_space<hbm>>
        tpu.enqueue_indirect_dma source(%dma_start3A_951 : memref<26000x128xf32, #tpu.memory_space<hbm>>) target(%arg6 : memref<104x128xf32, #tpu.memory_space<vmem>>) offsets(%dma_start3A_948 : memref<104xi32, #tpu.memory_space<vmem>>) semaphore(%arg9 : memref<!tpu.dma_semaphore, #tpu.memory_space<semaphore_mem>>)
      } else {
      }
      %mul3A_481 = arith.constant 2 : i32
      %mul3A_482 = arith.muli %scan3A_21, %mul3A_481 : i32
      %add3A_483 = arith.constant 1 : i32
      %add3A_484 = arith.addi %mul3A_482, %add3A_483 : i32
      %dma_wait3A_485 = arith.constant 0 : i32
      %dma_wait3A_486 = tpu.memref_slice %arg5[%add3A_484, %dma_wait3A_485] : memref<32x104xi32, #tpu.memory_space<vmem>> -> memref<1x104xi32, #tpu.memory_space<vmem>>
      %dma_wait3A_487 = tpu.memref_squeeze %dma_wait3A_486 : memref<1x104xi32, #tpu.memory_space<vmem>> -> memref<104xi32, #tpu.memory_space<vmem>>
      %dma_wait3A_488 = arith.constant 0 : i32
      %dma_wait3A_489 = arith.constant 0 : i32
      %dma_wait3A_490 = tpu.memref_slice %arg3[%dma_wait3A_488, %dma_wait3A_489] : memref<26000x128xf32, #tpu.memory_space<hbm>> -> memref<26000x128xf32, #tpu.memory_space<hbm>>
      tpu.wait_indirect_dma semaphore(%arg10 : memref<!tpu.dma_semaphore, #tpu.memory_space<semaphore_mem>>) src(%dma_wait3A_490 : memref<26000x128xf32, #tpu.memory_space<hbm>>) dst(%arg7 : memref<104x128xf32, #tpu.memory_space<vmem>>)
      %get3A_491 = arith.constant 0 : i32
      %get3A_492 = arith.index_cast %get3A_491 : i32 to index
      %get3A_493 = arith.constant 0 : index
      %get3A_494 = tpu.vector_load %arg7[%get3A_492, %get3A_493] {strides = array<i32>} : memref<104x128xf32, #tpu.memory_space<vmem>>, vector<1x16xf32>,
      %get3A_495 = vector.shape_cast %get3A_494 : vector<1x16xf32> to vector<16xf32>
      %mul3A_496 = arith.constant 4 : i32
      %mul3A_497 = arith.muli %add3A_484, %mul3A_496 : i32
      %add3A_498 = arith.constant 0 : i32
      %add3A_499 = arith.addi %mul3A_497, %add3A_498 : i32
      %swap3A_500 = arith.index_cast %add3A_499 : i32 to index
      %swap3A_501 = arith.constant 0 : index
      %swap3A_502 = tpu.vector_load %arg8[%swap3A_500, %swap3A_501] {strides = array<i32>} : memref<128x128xf32, #tpu.memory_space<vmem>>, vector<1x16xf32>,
      %swap3A_503 = vector.shape_cast %swap3A_502 : vector<1x16xf32> to vector<16xf32>
      %swap3A_504 = vector.shape_cast %get3A_495 : vector<16xf32> to vector<1x16xf32>
      tpu.vector_store %arg8[%swap3A_500, %swap3A_501], %swap3A_504 {strides = array<i32>} : memref<128x128xf32, #tpu.memory_space<vmem>>, vector<1x16xf32>,
      %get3A_505 = arith.constant 0 : i32
      %get3A_506 = arith.index_cast %get3A_505 : i32 to index
      %get3A_507 = arith.constant 16 : index
      %get3A_508 = tpu.vector_load %arg7[%get3A_506, %get3A_507] {strides = array<i32>} : memref<104x128xf32, #tpu.memory_space<vmem>>, vector<1x16xf32>,
      %get3A_509 = vector.shape_cast %get3A_508 : vector<1x16xf32> to vector<16xf32>
      %mul3A_510 = arith.constant 4 : i32
      %mul3A_511 = arith.muli %add3A_484, %mul3A_510 : i32
      %add3A_512 = arith.constant 0 : i32
      %add3A_513 = arith.addi %mul3A_511, %add3A_512 : i32
      %swap3A_514 = arith.index_cast %add3A_513 : i32 to index
      %swap3A_515 = arith.constant 16 : index
      %swap3A_516 = tpu.vector_load %arg8[%swap3A_514, %swap3A_515] {strides = array<i32>} : memref<128x128xf32, #tpu.memory_space<vmem>>, vector<1x16xf32>,
      %swap3A_517 = vector.shape_cast %swap3A_516 : vector<1x16xf32> to vector<16xf32>
      %swap3A_518 = vector.shape_cast %get3A_509 : vector<16xf32> to vector<1x16xf32>
      tpu.vector_store %arg8[%swap3A_514, %swap3A_515], %swap3A_518 {strides = array<i32>} : memref<128x128xf32, #tpu.memory_space<vmem>>, vector<1x16xf32>,
      %get3A_519 = arith.constant 0 : i32
      %get3A_520 = arith.index_cast %get3A_519 : i32 to index
      %get3A_521 = arith.constant 32 : index
      %get3A_522 = tpu.vector_load %arg7[%get3A_520, %get3A_521] {strides = array<i32>} : memref<104x128xf32, #tpu.memory_space<vmem>>, vector<1x16xf32>,
      %get3A_523 = vector.shape_cast %get3A_522 : vector<1x16xf32> to vector<16xf32>
      %mul3A_524 = arith.constant 4 : i32
      %mul3A_525 = arith.muli %add3A_484, %mul3A_524 : i32
      %add3A_526 = arith.constant 0 : i32
      %add3A_527 = arith.addi %mul3A_525, %add3A_526 : i32
      %swap3A_528 = arith.index_cast %add3A_527 : i32 to index
      %swap3A_529 = arith.constant 32 : index
      %swap3A_530 = tpu.vector_load %arg8[%swap3A_528, %swap3A_529] {strides = array<i32>} : memref<128x128xf32, #tpu.memory_space<vmem>>, vector<1x16xf32>,
      %swap3A_531 = vector.shape_cast %swap3A_530 : vector<1x16xf32> to vector<16xf32>
      %swap3A_532 = vector.shape_cast %get3A_523 : vector<16xf32> to vector<1x16xf32>
      tpu.vector_store %arg8[%swap3A_528, %swap3A_529], %swap3A_532 {strides = array<i32>} : memref<128x128xf32, #tpu.memory_space<vmem>>, vector<1x16xf32>,
      %get3A_533 = arith.constant 0 : i32
      %get3A_534 = arith.index_cast %get3A_533 : i32 to index
      %get3A_535 = arith.constant 48 : index
      %get3A_536 = tpu.vector_load %arg7[%get3A_534, %get3A_535] {strides = array<i32>} : memref<104x128xf32, #tpu.memory_space<vmem>>, vector<1x16xf32>,
      %get3A_537 = vector.shape_cast %get3A_536 : vector<1x16xf32> to vector<16xf32>
      %mul3A_538 = arith.constant 4 : i32
      %mul3A_539 = arith.muli %add3A_484, %mul3A_538 : i32
      %add3A_540 = arith.constant 0 : i32
      %add3A_541 = arith.addi %mul3A_539, %add3A_540 : i32
      %swap3A_542 = arith.index_cast %add3A_541 : i32 to index
      %swap3A_543 = arith.constant 48 : index
      %swap3A_544 = tpu.vector_load %arg8[%swap3A_542, %swap3A_543] {strides = array<i32>} : memref<128x128xf32, #tpu.memory_space<vmem>>, vector<1x16xf32>,
      %swap3A_545 = vector.shape_cast %swap3A_544 : vector<1x16xf32> to vector<16xf32>
      %swap3A_546 = vector.shape_cast %get3A_537 : vector<16xf32> to vector<1x16xf32>
      tpu.vector_store %arg8[%swap3A_542, %swap3A_543], %swap3A_546 {strides = array<i32>} : memref<128x128xf32, #tpu.memory_space<vmem>>, vector<1x16xf32>,
      %get3A_547 = arith.constant 0 : i32
      %get3A_548 = arith.index_cast %get3A_547 : i32 to index
      %get3A_549 = arith.constant 64 : index
      %get3A_550 = tpu.vector_load %arg7[%get3A_548, %get3A_549] {strides = array<i32>} : memref<104x128xf32, #tpu.memory_space<vmem>>, vector<1x16xf32>,
      %get3A_551 = vector.shape_cast %get3A_550 : vector<1x16xf32> to vector<16xf32>
      %mul3A_552 = arith.constant 4 : i32
      %mul3A_553 = arith.muli %add3A_484, %mul3A_552 : i32
      %add3A_554 = arith.constant 0 : i32
      %add3A_555 = arith.addi %mul3A_553, %add3A_554 : i32
      %swap3A_556 = arith.index_cast %add3A_555 : i32 to index
      %swap3A_557 = arith.constant 64 : index
      %swap3A_558 = tpu.vector_load %arg8[%swap3A_556, %swap3A_557] {strides = array<i32>} : memref<128x128xf32, #tpu.memory_space<vmem>>, vector<1x16xf32>,
      %swap3A_559 = vector.shape_cast %swap3A_558 : vector<1x16xf32> to vector<16xf32>
      %swap3A_560 = vector.shape_cast %get3A_551 : vector<16xf32> to vector<1x16xf32>
      tpu.vector_store %arg8[%swap3A_556, %swap3A_557], %swap3A_560 {strides = array<i32>} : memref<128x128xf32, #tpu.memory_space<vmem>>, vector<1x16xf32>,
      %get3A_561 = arith.constant 0 : i32
      %get3A_562 = arith.index_cast %get3A_561 : i32 to index
      %get3A_563 = arith.constant 80 : index
      %get3A_564 = tpu.vector_load %arg7[%get3A_562, %get3A_563] {strides = array<i32>} : memref<104x128xf32, #tpu.memory_space<vmem>>, vector<1x16xf32>,
      %get3A_565 = vector.shape_cast %get3A_564 : vector<1x16xf32> to vector<16xf32>
      %mul3A_566 = arith.constant 4 : i32
      %mul3A_567 = arith.muli %add3A_484, %mul3A_566 : i32
      %add3A_568 = arith.constant 0 : i32
      %add3A_569 = arith.addi %mul3A_567, %add3A_568 : i32
      %swap3A_570 = arith.index_cast %add3A_569 : i32 to index
      %swap3A_571 = arith.constant 80 : index
      %swap3A_572 = tpu.vector_load %arg8[%swap3A_570, %swap3A_571] {strides = array<i32>} : memref<128x128xf32, #tpu.memory_space<vmem>>, vector<1x16xf32>,
      %swap3A_573 = vector.shape_cast %swap3A_572 : vector<1x16xf32> to vector<16xf32>
      %swap3A_574 = vector.shape_cast %get3A_565 : vector<16xf32> to vector<1x16xf32>
      tpu.vector_store %arg8[%swap3A_570, %swap3A_571], %swap3A_574 {strides = array<i32>} : memref<128x128xf32, #tpu.memory_space<vmem>>, vector<1x16xf32>,
      %get3A_575 = arith.constant 0 : i32
      %get3A_576 = arith.index_cast %get3A_575 : i32 to index
      %get3A_577 = arith.constant 96 : index
      %get3A_578 = tpu.vector_load %arg7[%get3A_576, %get3A_577] {strides = array<i32>} : memref<104x128xf32, #tpu.memory_space<vmem>>, vector<1x16xf32>,
      %get3A_579 = vector.shape_cast %get3A_578 : vector<1x16xf32> to vector<16xf32>
      %mul3A_580 = arith.constant 4 : i32
      %mul3A_581 = arith.muli %add3A_484, %mul3A_580 : i32
      %add3A_582 = arith.constant 0 : i32
      %add3A_583 = arith.addi %mul3A_581, %add3A_582 : i32
      %swap3A_584 = arith.index_cast %add3A_583 : i32 to index
      %swap3A_585 = arith.constant 96 : index
      %swap3A_586 = tpu.vector_load %arg8[%swap3A_584, %swap3A_585] {strides = array<i32>} : memref<128x128xf32, #tpu.memory_space<vmem>>, vector<1x16xf32>,
      %swap3A_587 = vector.shape_cast %swap3A_586 : vector<1x16xf32> to vector<16xf32>
      %swap3A_588 = vector.shape_cast %get3A_579 : vector<16xf32> to vector<1x16xf32>
      tpu.vector_store %arg8[%swap3A_584, %swap3A_585], %swap3A_588 {strides = array<i32>} : memref<128x128xf32, #tpu.memory_space<vmem>>, vector<1x16xf32>,
      %get3A_589 = arith.constant 0 : i32
      %get3A_590 = arith.index_cast %get3A_589 : i32 to index
      %get3A_591 = arith.constant 112 : index
      %get3A_592 = tpu.vector_load %arg7[%get3A_590, %get3A_591] {strides = array<i32>} : memref<104x128xf32, #tpu.memory_space<vmem>>, vector<1x16xf32>,
      %get3A_593 = vector.shape_cast %get3A_592 : vector<1x16xf32> to vector<16xf32>
      %mul3A_594 = arith.constant 4 : i32
      %mul3A_595 = arith.muli %add3A_484, %mul3A_594 : i32
      %add3A_596 = arith.constant 0 : i32
      %add3A_597 = arith.addi %mul3A_595, %add3A_596 : i32
      %swap3A_598 = arith.index_cast %add3A_597 : i32 to index
      %swap3A_599 = arith.constant 112 : index
      %swap3A_600 = tpu.vector_load %arg8[%swap3A_598, %swap3A_599] {strides = array<i32>} : memref<128x128xf32, #tpu.memory_space<vmem>>, vector<1x16xf32>,
      %swap3A_601 = vector.shape_cast %swap3A_600 : vector<1x16xf32> to vector<16xf32>
      %swap3A_602 = vector.shape_cast %get3A_593 : vector<16xf32> to vector<1x16xf32>
      tpu.vector_store %arg8[%swap3A_598, %swap3A_599], %swap3A_602 {strides = array<i32>} : memref<128x128xf32, #tpu.memory_space<vmem>>, vector<1x16xf32>,
      %get3A_603 = arith.constant 26 : i32
      %get3A_604 = arith.index_cast %get3A_603 : i32 to index
      %get3A_605 = arith.constant 0 : index
      %get3A_606 = tpu.vector_load %arg7[%get3A_604, %get3A_605] {strides = array<i32>} : memref<104x128xf32, #tpu.memory_space<vmem>>, vector<1x16xf32>,
      %get3A_607 = vector.shape_cast %get3A_606 : vector<1x16xf32> to vector<16xf32>
      %mul3A_608 = arith.constant 4 : i32
      %mul3A_609 = arith.muli %add3A_484, %mul3A_608 : i32
      %add3A_610 = arith.constant 1 : i32
      %add3A_611 = arith.addi %mul3A_609, %add3A_610 : i32
      %swap3A_612 = arith.index_cast %add3A_611 : i32 to index
      %swap3A_613 = arith.constant 0 : index
      %swap3A_614 = tpu.vector_load %arg8[%swap3A_612, %swap3A_613] {strides = array<i32>} : memref<128x128xf32, #tpu.memory_space<vmem>>, vector<1x16xf32>,
      %swap3A_615 = vector.shape_cast %swap3A_614 : vector<1x16xf32> to vector<16xf32>
      %swap3A_616 = vector.shape_cast %get3A_607 : vector<16xf32> to vector<1x16xf32>
      tpu.vector_store %arg8[%swap3A_612, %swap3A_613], %swap3A_616 {strides = array<i32>} : memref<128x128xf32, #tpu.memory_space<vmem>>, vector<1x16xf32>,
      %get3A_617 = arith.constant 26 : i32
      %get3A_618 = arith.index_cast %get3A_617 : i32 to index
      %get3A_619 = arith.constant 16 : index
      %get3A_620 = tpu.vector_load %arg7[%get3A_618, %get3A_619] {strides = array<i32>} : memref<104x128xf32, #tpu.memory_space<vmem>>, vector<1x16xf32>,
      %get3A_621 = vector.shape_cast %get3A_620 : vector<1x16xf32> to vector<16xf32>
      %mul3A_622 = arith.constant 4 : i32
      %mul3A_623 = arith.muli %add3A_484, %mul3A_622 : i32
      %add3A_624 = arith.constant 1 : i32
      %add3A_625 = arith.addi %mul3A_623, %add3A_624 : i32
      %swap3A_626 = arith.index_cast %add3A_625 : i32 to index
      %swap3A_627 = arith.constant 16 : index
      %swap3A_628 = tpu.vector_load %arg8[%swap3A_626, %swap3A_627] {strides = array<i32>} : memref<128x128xf32, #tpu.memory_space<vmem>>, vector<1x16xf32>,
      %swap3A_629 = vector.shape_cast %swap3A_628 : vector<1x16xf32> to vector<16xf32>
      %swap3A_630 = vector.shape_cast %get3A_621 : vector<16xf32> to vector<1x16xf32>
      tpu.vector_store %arg8[%swap3A_626, %swap3A_627], %swap3A_630 {strides = array<i32>} : memref<128x128xf32, #tpu.memory_space<vmem>>, vector<1x16xf32>,
      %get3A_631 = arith.constant 26 : i32
      %get3A_632 = arith.index_cast %get3A_631 : i32 to index
      %get3A_633 = arith.constant 32 : index
      %get3A_634 = tpu.vector_load %arg7[%get3A_632, %get3A_633] {strides = array<i32>} : memref<104x128xf32, #tpu.memory_space<vmem>>, vector<1x16xf32>,
      %get3A_635 = vector.shape_cast %get3A_634 : vector<1x16xf32> to vector<16xf32>
      %mul3A_636 = arith.constant 4 : i32
      %mul3A_637 = arith.muli %add3A_484, %mul3A_636 : i32
      %add3A_638 = arith.constant 1 : i32
      %add3A_639 = arith.addi %mul3A_637, %add3A_638 : i32
      %swap3A_640 = arith.index_cast %add3A_639 : i32 to index
      %swap3A_641 = arith.constant 32 : index
      %swap3A_642 = tpu.vector_load %arg8[%swap3A_640, %swap3A_641] {strides = array<i32>} : memref<128x128xf32, #tpu.memory_space<vmem>>, vector<1x16xf32>,
      %swap3A_643 = vector.shape_cast %swap3A_642 : vector<1x16xf32> to vector<16xf32>
      %swap3A_644 = vector.shape_cast %get3A_635 : vector<16xf32> to vector<1x16xf32>
      tpu.vector_store %arg8[%swap3A_640, %swap3A_641], %swap3A_644 {strides = array<i32>} : memref<128x128xf32, #tpu.memory_space<vmem>>, vector<1x16xf32>,
      %get3A_645 = arith.constant 26 : i32
      %get3A_646 = arith.index_cast %get3A_645 : i32 to index
      %get3A_647 = arith.constant 48 : index
      %get3A_648 = tpu.vector_load %arg7[%get3A_646, %get3A_647] {strides = array<i32>} : memref<104x128xf32, #tpu.memory_space<vmem>>, vector<1x16xf32>,
      %get3A_649 = vector.shape_cast %get3A_648 : vector<1x16xf32> to vector<16xf32>
      %mul3A_650 = arith.constant 4 : i32
      %mul3A_651 = arith.muli %add3A_484, %mul3A_650 : i32
      %add3A_652 = arith.constant 1 : i32
      %add3A_653 = arith.addi %mul3A_651, %add3A_652 : i32
      %swap3A_654 = arith.index_cast %add3A_653 : i32 to index
      %swap3A_655 = arith.constant 48 : index
      %swap3A_656 = tpu.vector_load %arg8[%swap3A_654, %swap3A_655] {strides = array<i32>} : memref<128x128xf32, #tpu.memory_space<vmem>>, vector<1x16xf32>,
      %swap3A_657 = vector.shape_cast %swap3A_656 : vector<1x16xf32> to vector<16xf32>
      %swap3A_658 = vector.shape_cast %get3A_649 : vector<16xf32> to vector<1x16xf32>
      tpu.vector_store %arg8[%swap3A_654, %swap3A_655], %swap3A_658 {strides = array<i32>} : memref<128x128xf32, #tpu.memory_space<vmem>>, vector<1x16xf32>,
      %get3A_659 = arith.constant 26 : i32
      %get3A_660 = arith.index_cast %get3A_659 : i32 to index
      %get3A_661 = arith.constant 64 : index
      %get3A_662 = tpu.vector_load %arg7[%get3A_660, %get3A_661] {strides = array<i32>} : memref<104x128xf32, #tpu.memory_space<vmem>>, vector<1x16xf32>,
      %get3A_663 = vector.shape_cast %get3A_662 : vector<1x16xf32> to vector<16xf32>
      %mul3A_664 = arith.constant 4 : i32
      %mul3A_665 = arith.muli %add3A_484, %mul3A_664 : i32
      %add3A_666 = arith.constant 1 : i32
      %add3A_667 = arith.addi %mul3A_665, %add3A_666 : i32
      %swap3A_668 = arith.index_cast %add3A_667 : i32 to index
      %swap3A_669 = arith.constant 64 : index
      %swap3A_670 = tpu.vector_load %arg8[%swap3A_668, %swap3A_669] {strides = array<i32>} : memref<128x128xf32, #tpu.memory_space<vmem>>, vector<1x16xf32>,
      %swap3A_671 = vector.shape_cast %swap3A_670 : vector<1x16xf32> to vector<16xf32>
      %swap3A_672 = vector.shape_cast %get3A_663 : vector<16xf32> to vector<1x16xf32>
      tpu.vector_store %arg8[%swap3A_668, %swap3A_669], %swap3A_672 {strides = array<i32>} : memref<128x128xf32, #tpu.memory_space<vmem>>, vector<1x16xf32>,
      %get3A_673 = arith.constant 26 : i32
      %get3A_674 = arith.index_cast %get3A_673 : i32 to index
      %get3A_675 = arith.constant 80 : index
      %get3A_676 = tpu.vector_load %arg7[%get3A_674, %get3A_675] {strides = array<i32>} : memref<104x128xf32, #tpu.memory_space<vmem>>, vector<1x16xf32>,
      %get3A_677 = vector.shape_cast %get3A_676 : vector<1x16xf32> to vector<16xf32>
      %mul3A_678 = arith.constant 4 : i32
      %mul3A_679 = arith.muli %add3A_484, %mul3A_678 : i32
      %add3A_680 = arith.constant 1 : i32
      %add3A_681 = arith.addi %mul3A_679, %add3A_680 : i32
      %swap3A_682 = arith.index_cast %add3A_681 : i32 to index
      %swap3A_683 = arith.constant 80 : index
      %swap3A_684 = tpu.vector_load %arg8[%swap3A_682, %swap3A_683] {strides = array<i32>} : memref<128x128xf32, #tpu.memory_space<vmem>>, vector<1x16xf32>,
      %swap3A_685 = vector.shape_cast %swap3A_684 : vector<1x16xf32> to vector<16xf32>
      %swap3A_686 = vector.shape_cast %get3A_677 : vector<16xf32> to vector<1x16xf32>
      tpu.vector_store %arg8[%swap3A_682, %swap3A_683], %swap3A_686 {strides = array<i32>} : memref<128x128xf32, #tpu.memory_space<vmem>>, vector<1x16xf32>,
      %get3A_687 = arith.constant 26 : i32
      %get3A_688 = arith.index_cast %get3A_687 : i32 to index
      %get3A_689 = arith.constant 96 : index
      %get3A_690 = tpu.vector_load %arg7[%get3A_688, %get3A_689] {strides = array<i32>} : memref<104x128xf32, #tpu.memory_space<vmem>>, vector<1x16xf32>,
      %get3A_691 = vector.shape_cast %get3A_690 : vector<1x16xf32> to vector<16xf32>
      %mul3A_692 = arith.constant 4 : i32
      %mul3A_693 = arith.muli %add3A_484, %mul3A_692 : i32
      %add3A_694 = arith.constant 1 : i32
      %add3A_695 = arith.addi %mul3A_693, %add3A_694 : i32
      %swap3A_696 = arith.index_cast %add3A_695 : i32 to index
      %swap3A_697 = arith.constant 96 : index
      %swap3A_698 = tpu.vector_load %arg8[%swap3A_696, %swap3A_697] {strides = array<i32>} : memref<128x128xf32, #tpu.memory_space<vmem>>, vector<1x16xf32>,
      %swap3A_699 = vector.shape_cast %swap3A_698 : vector<1x16xf32> to vector<16xf32>
      %swap3A_700 = vector.shape_cast %get3A_691 : vector<16xf32> to vector<1x16xf32>
      tpu.vector_store %arg8[%swap3A_696, %swap3A_697], %swap3A_700 {strides = array<i32>} : memref<128x128xf32, #tpu.memory_space<vmem>>, vector<1x16xf32>,
      %get3A_701 = arith.constant 26 : i32
      %get3A_702 = arith.index_cast %get3A_701 : i32 to index
      %get3A_703 = arith.constant 112 : index
      %get3A_704 = tpu.vector_load %arg7[%get3A_702, %get3A_703] {strides = array<i32>} : memref<104x128xf32, #tpu.memory_space<vmem>>, vector<1x16xf32>,
      %get3A_705 = vector.shape_cast %get3A_704 : vector<1x16xf32> to vector<16xf32>
      %mul3A_706 = arith.constant 4 : i32
      %mul3A_707 = arith.muli %add3A_484, %mul3A_706 : i32
      %add3A_708 = arith.constant 1 : i32
      %add3A_709 = arith.addi %mul3A_707, %add3A_708 : i32
      %swap3A_710 = arith.index_cast %add3A_709 : i32 to index
      %swap3A_711 = arith.constant 112 : index
      %swap3A_712 = tpu.vector_load %arg8[%swap3A_710, %swap3A_711] {strides = array<i32>} : memref<128x128xf32, #tpu.memory_space<vmem>>, vector<1x16xf32>,
      %swap3A_713 = vector.shape_cast %swap3A_712 : vector<1x16xf32> to vector<16xf32>
      %swap3A_714 = vector.shape_cast %get3A_705 : vector<16xf32> to vector<1x16xf32>
      tpu.vector_store %arg8[%swap3A_710, %swap3A_711], %swap3A_714 {strides = array<i32>} : memref<128x128xf32, #tpu.memory_space<vmem>>, vector<1x16xf32>,
      %get3A_715 = arith.constant 52 : i32
      %get3A_716 = arith.index_cast %get3A_715 : i32 to index
      %get3A_717 = arith.constant 0 : index
      %get3A_718 = tpu.vector_load %arg7[%get3A_716, %get3A_717] {strides = array<i32>} : memref<104x128xf32, #tpu.memory_space<vmem>>, vector<1x16xf32>,
      %get3A_719 = vector.shape_cast %get3A_718 : vector<1x16xf32> to vector<16xf32>
      %mul3A_720 = arith.constant 4 : i32
      %mul3A_721 = arith.muli %add3A_484, %mul3A_720 : i32
      %add3A_722 = arith.constant 2 : i32
      %add3A_723 = arith.addi %mul3A_721, %add3A_722 : i32
      %swap3A_724 = arith.index_cast %add3A_723 : i32 to index
      %swap3A_725 = arith.constant 0 : index
      %swap3A_726 = tpu.vector_load %arg8[%swap3A_724, %swap3A_725] {strides = array<i32>} : memref<128x128xf32, #tpu.memory_space<vmem>>, vector<1x16xf32>,
      %swap3A_727 = vector.shape_cast %swap3A_726 : vector<1x16xf32> to vector<16xf32>
      %swap3A_728 = vector.shape_cast %get3A_719 : vector<16xf32> to vector<1x16xf32>
      tpu.vector_store %arg8[%swap3A_724, %swap3A_725], %swap3A_728 {strides = array<i32>} : memref<128x128xf32, #tpu.memory_space<vmem>>, vector<1x16xf32>,
      %get3A_729 = arith.constant 52 : i32
      %get3A_730 = arith.index_cast %get3A_729 : i32 to index
      %get3A_731 = arith.constant 16 : index
      %get3A_732 = tpu.vector_load %arg7[%get3A_730, %get3A_731] {strides = array<i32>} : memref<104x128xf32, #tpu.memory_space<vmem>>, vector<1x16xf32>,
      %get3A_733 = vector.shape_cast %get3A_732 : vector<1x16xf32> to vector<16xf32>
      %mul3A_734 = arith.constant 4 : i32
      %mul3A_735 = arith.muli %add3A_484, %mul3A_734 : i32
      %add3A_736 = arith.constant 2 : i32
      %add3A_737 = arith.addi %mul3A_735, %add3A_736 : i32
      %swap3A_738 = arith.index_cast %add3A_737 : i32 to index
      %swap3A_739 = arith.constant 16 : index
      %swap3A_740 = tpu.vector_load %arg8[%swap3A_738, %swap3A_739] {strides = array<i32>} : memref<128x128xf32, #tpu.memory_space<vmem>>, vector<1x16xf32>,
      %swap3A_741 = vector.shape_cast %swap3A_740 : vector<1x16xf32> to vector<16xf32>
      %swap3A_742 = vector.shape_cast %get3A_733 : vector<16xf32> to vector<1x16xf32>
      tpu.vector_store %arg8[%swap3A_738, %swap3A_739], %swap3A_742 {strides = array<i32>} : memref<128x128xf32, #tpu.memory_space<vmem>>, vector<1x16xf32>,
      %get3A_743 = arith.constant 52 : i32
      %get3A_744 = arith.index_cast %get3A_743 : i32 to index
      %get3A_745 = arith.constant 32 : index
      %get3A_746 = tpu.vector_load %arg7[%get3A_744, %get3A_745] {strides = array<i32>} : memref<104x128xf32, #tpu.memory_space<vmem>>, vector<1x16xf32>,
      %get3A_747 = vector.shape_cast %get3A_746 : vector<1x16xf32> to vector<16xf32>
      %mul3A_748 = arith.constant 4 : i32
      %mul3A_749 = arith.muli %add3A_484, %mul3A_748 : i32
      %add3A_750 = arith.constant 2 : i32
      %add3A_751 = arith.addi %mul3A_749, %add3A_750 : i32
      %swap3A_752 = arith.index_cast %add3A_751 : i32 to index
      %swap3A_753 = arith.constant 32 : index
      %swap3A_754 = tpu.vector_load %arg8[%swap3A_752, %swap3A_753] {strides = array<i32>} : memref<128x128xf32, #tpu.memory_space<vmem>>, vector<1x16xf32>,
      %swap3A_755 = vector.shape_cast %swap3A_754 : vector<1x16xf32> to vector<16xf32>
      %swap3A_756 = vector.shape_cast %get3A_747 : vector<16xf32> to vector<1x16xf32>
      tpu.vector_store %arg8[%swap3A_752, %swap3A_753], %swap3A_756 {strides = array<i32>} : memref<128x128xf32, #tpu.memory_space<vmem>>, vector<1x16xf32>,
      %get3A_757 = arith.constant 52 : i32
      %get3A_758 = arith.index_cast %get3A_757 : i32 to index
      %get3A_759 = arith.constant 48 : index
      %get3A_760 = tpu.vector_load %arg7[%get3A_758, %get3A_759] {strides = array<i32>} : memref<104x128xf32, #tpu.memory_space<vmem>>, vector<1x16xf32>,
      %get3A_761 = vector.shape_cast %get3A_760 : vector<1x16xf32> to vector<16xf32>
      %mul3A_762 = arith.constant 4 : i32
      %mul3A_763 = arith.muli %add3A_484, %mul3A_762 : i32
      %add3A_764 = arith.constant 2 : i32
      %add3A_765 = arith.addi %mul3A_763, %add3A_764 : i32
      %swap3A_766 = arith.index_cast %add3A_765 : i32 to index
      %swap3A_767 = arith.constant 48 : index
      %swap3A_768 = tpu.vector_load %arg8[%swap3A_766, %swap3A_767] {strides = array<i32>} : memref<128x128xf32, #tpu.memory_space<vmem>>, vector<1x16xf32>,
      %swap3A_769 = vector.shape_cast %swap3A_768 : vector<1x16xf32> to vector<16xf32>
      %swap3A_770 = vector.shape_cast %get3A_761 : vector<16xf32> to vector<1x16xf32>
      tpu.vector_store %arg8[%swap3A_766, %swap3A_767], %swap3A_770 {strides = array<i32>} : memref<128x128xf32, #tpu.memory_space<vmem>>, vector<1x16xf32>,
      %get3A_771 = arith.constant 52 : i32
      %get3A_772 = arith.index_cast %get3A_771 : i32 to index
      %get3A_773 = arith.constant 64 : index
      %get3A_774 = tpu.vector_load %arg7[%get3A_772, %get3A_773] {strides = array<i32>} : memref<104x128xf32, #tpu.memory_space<vmem>>, vector<1x16xf32>,
      %get3A_775 = vector.shape_cast %get3A_774 : vector<1x16xf32> to vector<16xf32>
      %mul3A_776 = arith.constant 4 : i32
      %mul3A_777 = arith.muli %add3A_484, %mul3A_776 : i32
      %add3A_778 = arith.constant 2 : i32
      %add3A_779 = arith.addi %mul3A_777, %add3A_778 : i32
      %swap3A_780 = arith.index_cast %add3A_779 : i32 to index
      %swap3A_781 = arith.constant 64 : index
      %swap3A_782 = tpu.vector_load %arg8[%swap3A_780, %swap3A_781] {strides = array<i32>} : memref<128x128xf32, #tpu.memory_space<vmem>>, vector<1x16xf32>,
      %swap3A_783 = vector.shape_cast %swap3A_782 : vector<1x16xf32> to vector<16xf32>
      %swap3A_784 = vector.shape_cast %get3A_775 : vector<16xf32> to vector<1x16xf32>
      tpu.vector_store %arg8[%swap3A_780, %swap3A_781], %swap3A_784 {strides = array<i32>} : memref<128x128xf32, #tpu.memory_space<vmem>>, vector<1x16xf32>,
      %get3A_785 = arith.constant 52 : i32
      %get3A_786 = arith.index_cast %get3A_785 : i32 to index
      %get3A_787 = arith.constant 80 : index
      %get3A_788 = tpu.vector_load %arg7[%get3A_786, %get3A_787] {strides = array<i32>} : memref<104x128xf32, #tpu.memory_space<vmem>>, vector<1x16xf32>,
      %get3A_789 = vector.shape_cast %get3A_788 : vector<1x16xf32> to vector<16xf32>
      %mul3A_790 = arith.constant 4 : i32
      %mul3A_791 = arith.muli %add3A_484, %mul3A_790 : i32
      %add3A_792 = arith.constant 2 : i32
      %add3A_793 = arith.addi %mul3A_791, %add3A_792 : i32
      %swap3A_794 = arith.index_cast %add3A_793 : i32 to index
      %swap3A_795 = arith.constant 80 : index
      %swap3A_796 = tpu.vector_load %arg8[%swap3A_794, %swap3A_795] {strides = array<i32>} : memref<128x128xf32, #tpu.memory_space<vmem>>, vector<1x16xf32>,
      %swap3A_797 = vector.shape_cast %swap3A_796 : vector<1x16xf32> to vector<16xf32>
      %swap3A_798 = vector.shape_cast %get3A_789 : vector<16xf32> to vector<1x16xf32>
      tpu.vector_store %arg8[%swap3A_794, %swap3A_795], %swap3A_798 {strides = array<i32>} : memref<128x128xf32, #tpu.memory_space<vmem>>, vector<1x16xf32>,
      %get3A_799 = arith.constant 52 : i32
      %get3A_800 = arith.index_cast %get3A_799 : i32 to index
      %get3A_801 = arith.constant 96 : index
      %get3A_802 = tpu.vector_load %arg7[%get3A_800, %get3A_801] {strides = array<i32>} : memref<104x128xf32, #tpu.memory_space<vmem>>, vector<1x16xf32>,
      %get3A_803 = vector.shape_cast %get3A_802 : vector<1x16xf32> to vector<16xf32>
      %mul3A_804 = arith.constant 4 : i32
      %mul3A_805 = arith.muli %add3A_484, %mul3A_804 : i32
      %add3A_806 = arith.constant 2 : i32
      %add3A_807 = arith.addi %mul3A_805, %add3A_806 : i32
      %swap3A_808 = arith.index_cast %add3A_807 : i32 to index
      %swap3A_809 = arith.constant 96 : index
      %swap3A_810 = tpu.vector_load %arg8[%swap3A_808, %swap3A_809] {strides = array<i32>} : memref<128x128xf32, #tpu.memory_space<vmem>>, vector<1x16xf32>,
      %swap3A_811 = vector.shape_cast %swap3A_810 : vector<1x16xf32> to vector<16xf32>
      %swap3A_812 = vector.shape_cast %get3A_803 : vector<16xf32> to vector<1x16xf32>
      tpu.vector_store %arg8[%swap3A_808, %swap3A_809], %swap3A_812 {strides = array<i32>} : memref<128x128xf32, #tpu.memory_space<vmem>>, vector<1x16xf32>,
      %get3A_813 = arith.constant 52 : i32
      %get3A_814 = arith.index_cast %get3A_813 : i32 to index
      %get3A_815 = arith.constant 112 : index
      %get3A_816 = tpu.vector_load %arg7[%get3A_814, %get3A_815] {strides = array<i32>} : memref<104x128xf32, #tpu.memory_space<vmem>>, vector<1x16xf32>,
      %get3A_817 = vector.shape_cast %get3A_816 : vector<1x16xf32> to vector<16xf32>
      %mul3A_818 = arith.constant 4 : i32
      %mul3A_819 = arith.muli %add3A_484, %mul3A_818 : i32
      %add3A_820 = arith.constant 2 : i32
      %add3A_821 = arith.addi %mul3A_819, %add3A_820 : i32
      %swap3A_822 = arith.index_cast %add3A_821 : i32 to index
      %swap3A_823 = arith.constant 112 : index
      %swap3A_824 = tpu.vector_load %arg8[%swap3A_822, %swap3A_823] {strides = array<i32>} : memref<128x128xf32, #tpu.memory_space<vmem>>, vector<1x16xf32>,
      %swap3A_825 = vector.shape_cast %swap3A_824 : vector<1x16xf32> to vector<16xf32>
      %swap3A_826 = vector.shape_cast %get3A_817 : vector<16xf32> to vector<1x16xf32>
      tpu.vector_store %arg8[%swap3A_822, %swap3A_823], %swap3A_826 {strides = array<i32>} : memref<128x128xf32, #tpu.memory_space<vmem>>, vector<1x16xf32>,
      %get3A_827 = arith.constant 78 : i32
      %get3A_828 = arith.index_cast %get3A_827 : i32 to index
      %get3A_829 = arith.constant 0 : index
      %get3A_830 = tpu.vector_load %arg7[%get3A_828, %get3A_829] {strides = array<i32>} : memref<104x128xf32, #tpu.memory_space<vmem>>, vector<1x16xf32>,
      %get3A_831 = vector.shape_cast %get3A_830 : vector<1x16xf32> to vector<16xf32>
      %mul3A_832 = arith.constant 4 : i32
      %mul3A_833 = arith.muli %add3A_484, %mul3A_832 : i32
      %add3A_834 = arith.constant 3 : i32
      %add3A_835 = arith.addi %mul3A_833, %add3A_834 : i32
      %swap3A_836 = arith.index_cast %add3A_835 : i32 to index
      %swap3A_837 = arith.constant 0 : index
      %swap3A_838 = tpu.vector_load %arg8[%swap3A_836, %swap3A_837] {strides = array<i32>} : memref<128x128xf32, #tpu.memory_space<vmem>>, vector<1x16xf32>,
      %swap3A_839 = vector.shape_cast %swap3A_838 : vector<1x16xf32> to vector<16xf32>
      %swap3A_840 = vector.shape_cast %get3A_831 : vector<16xf32> to vector<1x16xf32>
      tpu.vector_store %arg8[%swap3A_836, %swap3A_837], %swap3A_840 {strides = array<i32>} : memref<128x128xf32, #tpu.memory_space<vmem>>, vector<1x16xf32>,
      %get3A_841 = arith.constant 78 : i32
      %get3A_842 = arith.index_cast %get3A_841 : i32 to index
      %get3A_843 = arith.constant 16 : index
      %get3A_844 = tpu.vector_load %arg7[%get3A_842, %get3A_843] {strides = array<i32>} : memref<104x128xf32, #tpu.memory_space<vmem>>, vector<1x16xf32>,
      %get3A_845 = vector.shape_cast %get3A_844 : vector<1x16xf32> to vector<16xf32>
      %mul3A_846 = arith.constant 4 : i32
      %mul3A_847 = arith.muli %add3A_484, %mul3A_846 : i32
      %add3A_848 = arith.constant 3 : i32
      %add3A_849 = arith.addi %mul3A_847, %add3A_848 : i32
      %swap3A_850 = arith.index_cast %add3A_849 : i32 to index
      %swap3A_851 = arith.constant 16 : index
      %swap3A_852 = tpu.vector_load %arg8[%swap3A_850, %swap3A_851] {strides = array<i32>} : memref<128x128xf32, #tpu.memory_space<vmem>>, vector<1x16xf32>,
      %swap3A_853 = vector.shape_cast %swap3A_852 : vector<1x16xf32> to vector<16xf32>
      %swap3A_854 = vector.shape_cast %get3A_845 : vector<16xf32> to vector<1x16xf32>
      tpu.vector_store %arg8[%swap3A_850, %swap3A_851], %swap3A_854 {strides = array<i32>} : memref<128x128xf32, #tpu.memory_space<vmem>>, vector<1x16xf32>,
      %get3A_855 = arith.constant 78 : i32
      %get3A_856 = arith.index_cast %get3A_855 : i32 to index
      %get3A_857 = arith.constant 32 : index
      %get3A_858 = tpu.vector_load %arg7[%get3A_856, %get3A_857] {strides = array<i32>} : memref<104x128xf32, #tpu.memory_space<vmem>>, vector<1x16xf32>,
      %get3A_859 = vector.shape_cast %get3A_858 : vector<1x16xf32> to vector<16xf32>
      %mul3A_860 = arith.constant 4 : i32
      %mul3A_861 = arith.muli %add3A_484, %mul3A_860 : i32
      %add3A_862 = arith.constant 3 : i32
      %add3A_863 = arith.addi %mul3A_861, %add3A_862 : i32
      %swap3A_864 = arith.index_cast %add3A_863 : i32 to index
      %swap3A_865 = arith.constant 32 : index
      %swap3A_866 = tpu.vector_load %arg8[%swap3A_864, %swap3A_865] {strides = array<i32>} : memref<128x128xf32, #tpu.memory_space<vmem>>, vector<1x16xf32>,
      %swap3A_867 = vector.shape_cast %swap3A_866 : vector<1x16xf32> to vector<16xf32>
      %swap3A_868 = vector.shape_cast %get3A_859 : vector<16xf32> to vector<1x16xf32>
      tpu.vector_store %arg8[%swap3A_864, %swap3A_865], %swap3A_868 {strides = array<i32>} : memref<128x128xf32, #tpu.memory_space<vmem>>, vector<1x16xf32>,
      %get3A_869 = arith.constant 78 : i32
      %get3A_870 = arith.index_cast %get3A_869 : i32 to index
      %get3A_871 = arith.constant 48 : index
      %get3A_872 = tpu.vector_load %arg7[%get3A_870, %get3A_871] {strides = array<i32>} : memref<104x128xf32, #tpu.memory_space<vmem>>, vector<1x16xf32>,
      %get3A_873 = vector.shape_cast %get3A_872 : vector<1x16xf32> to vector<16xf32>
      %mul3A_874 = arith.constant 4 : i32
      %mul3A_875 = arith.muli %add3A_484, %mul3A_874 : i32
      %add3A_876 = arith.constant 3 : i32
      %add3A_877 = arith.addi %mul3A_875, %add3A_876 : i32
      %swap3A_878 = arith.index_cast %add3A_877 : i32 to index
      %swap3A_879 = arith.constant 48 : index
      %swap3A_880 = tpu.vector_load %arg8[%swap3A_878, %swap3A_879] {strides = array<i32>} : memref<128x128xf32, #tpu.memory_space<vmem>>, vector<1x16xf32>,
      %swap3A_881 = vector.shape_cast %swap3A_880 : vector<1x16xf32> to vector<16xf32>
      %swap3A_882 = vector.shape_cast %get3A_873 : vector<16xf32> to vector<1x16xf32>
      tpu.vector_store %arg8[%swap3A_878, %swap3A_879], %swap3A_882 {strides = array<i32>} : memref<128x128xf32, #tpu.memory_space<vmem>>, vector<1x16xf32>,
      %get3A_883 = arith.constant 78 : i32
      %get3A_884 = arith.index_cast %get3A_883 : i32 to index
      %get3A_885 = arith.constant 64 : index
      %get3A_886 = tpu.vector_load %arg7[%get3A_884, %get3A_885] {strides = array<i32>} : memref<104x128xf32, #tpu.memory_space<vmem>>, vector<1x16xf32>,
      %get3A_887 = vector.shape_cast %get3A_886 : vector<1x16xf32> to vector<16xf32>
      %mul3A_888 = arith.constant 4 : i32
      %mul3A_889 = arith.muli %add3A_484, %mul3A_888 : i32
      %add3A_890 = arith.constant 3 : i32
      %add3A_891 = arith.addi %mul3A_889, %add3A_890 : i32
      %swap3A_892 = arith.index_cast %add3A_891 : i32 to index
      %swap3A_893 = arith.constant 64 : index
      %swap3A_894 = tpu.vector_load %arg8[%swap3A_892, %swap3A_893] {strides = array<i32>} : memref<128x128xf32, #tpu.memory_space<vmem>>, vector<1x16xf32>,
      %swap3A_895 = vector.shape_cast %swap3A_894 : vector<1x16xf32> to vector<16xf32>
      %swap3A_896 = vector.shape_cast %get3A_887 : vector<16xf32> to vector<1x16xf32>
      tpu.vector_store %arg8[%swap3A_892, %swap3A_893], %swap3A_896 {strides = array<i32>} : memref<128x128xf32, #tpu.memory_space<vmem>>, vector<1x16xf32>,
      %get3A_897 = arith.constant 78 : i32
      %get3A_898 = arith.index_cast %get3A_897 : i32 to index
      %get3A_899 = arith.constant 80 : index
      %get3A_900 = tpu.vector_load %arg7[%get3A_898, %get3A_899] {strides = array<i32>} : memref<104x128xf32, #tpu.memory_space<vmem>>, vector<1x16xf32>,
      %get3A_901 = vector.shape_cast %get3A_900 : vector<1x16xf32> to vector<16xf32>
      %mul3A_902 = arith.constant 4 : i32
      %mul3A_903 = arith.muli %add3A_484, %mul3A_902 : i32
      %add3A_904 = arith.constant 3 : i32
      %add3A_905 = arith.addi %mul3A_903, %add3A_904 : i32
      %swap3A_906 = arith.index_cast %add3A_905 : i32 to index
      %swap3A_907 = arith.constant 80 : index
      %swap3A_908 = tpu.vector_load %arg8[%swap3A_906, %swap3A_907] {strides = array<i32>} : memref<128x128xf32, #tpu.memory_space<vmem>>, vector<1x16xf32>,
      %swap3A_909 = vector.shape_cast %swap3A_908 : vector<1x16xf32> to vector<16xf32>
      %swap3A_910 = vector.shape_cast %get3A_901 : vector<16xf32> to vector<1x16xf32>
      tpu.vector_store %arg8[%swap3A_906, %swap3A_907], %swap3A_910 {strides = array<i32>} : memref<128x128xf32, #tpu.memory_space<vmem>>, vector<1x16xf32>,
      %get3A_911 = arith.constant 78 : i32
      %get3A_912 = arith.index_cast %get3A_911 : i32 to index
      %get3A_913 = arith.constant 96 : index
      %get3A_914 = tpu.vector_load %arg7[%get3A_912, %get3A_913] {strides = array<i32>} : memref<104x128xf32, #tpu.memory_space<vmem>>, vector<1x16xf32>,
      %get3A_915 = vector.shape_cast %get3A_914 : vector<1x16xf32> to vector<16xf32>
      %mul3A_916 = arith.constant 4 : i32
      %mul3A_917 = arith.muli %add3A_484, %mul3A_916 : i32
      %add3A_918 = arith.constant 3 : i32
      %add3A_919 = arith.addi %mul3A_917, %add3A_918 : i32
      %swap3A_920 = arith.index_cast %add3A_919 : i32 to index
      %swap3A_921 = arith.constant 96 : index
      %swap3A_922 = tpu.vector_load %arg8[%swap3A_920, %swap3A_921] {strides = array<i32>} : memref<128x128xf32, #tpu.memory_space<vmem>>, vector<1x16xf32>,
      %swap3A_923 = vector.shape_cast %swap3A_922 : vector<1x16xf32> to vector<16xf32>
      %swap3A_924 = vector.shape_cast %get3A_915 : vector<16xf32> to vector<1x16xf32>
      tpu.vector_store %arg8[%swap3A_920, %swap3A_921], %swap3A_924 {strides = array<i32>} : memref<128x128xf32, #tpu.memory_space<vmem>>, vector<1x16xf32>,
      %get3A_925 = arith.constant 78 : i32
      %get3A_926 = arith.index_cast %get3A_925 : i32 to index
      %get3A_927 = arith.constant 112 : index
      %get3A_928 = tpu.vector_load %arg7[%get3A_926, %get3A_927] {strides = array<i32>} : memref<104x128xf32, #tpu.memory_space<vmem>>, vector<1x16xf32>,
      %get3A_929 = vector.shape_cast %get3A_928 : vector<1x16xf32> to vector<16xf32>
      %mul3A_930 = arith.constant 4 : i32
      %mul3A_931 = arith.muli %add3A_484, %mul3A_930 : i32
      %add3A_932 = arith.constant 3 : i32
      %add3A_933 = arith.addi %mul3A_931, %add3A_932 : i32
      %swap3A_934 = arith.index_cast %add3A_933 : i32 to index
      %swap3A_935 = arith.constant 112 : index
      %swap3A_936 = tpu.vector_load %arg8[%swap3A_934, %swap3A_935] {strides = array<i32>} : memref<128x128xf32, #tpu.memory_space<vmem>>, vector<1x16xf32>,
      %swap3A_937 = vector.shape_cast %swap3A_936 : vector<1x16xf32> to vector<16xf32>
      %swap3A_938 = vector.shape_cast %get3A_929 : vector<16xf32> to vector<1x16xf32>
      tpu.vector_store %arg8[%swap3A_934, %swap3A_935], %swap3A_938 {strides = array<i32>} : memref<128x128xf32, #tpu.memory_space<vmem>>, vector<1x16xf32>,
      %add3A_939 = arith.constant 2 : i32
      %add3A_940 = arith.addi %add3A_484, %add3A_939 : i32
      %lt3A_941 = arith.constant 32 : i32
      %lt3A_942 = arith.cmpi slt, %add3A_940, %lt3A_941 : i32
      %convert_element_type3A_943 = arith.extui %lt3A_942 : i1 to i32
      %cond3A_944 = arith.constant 0 : i32
      %cond3A_945 = arith.cmpi ne, %convert_element_type3A_943, %cond3A_944 : i32
      scf.if %cond3A_945 {
        %dma_start3A_946 = arith.constant 0 : i32
        %dma_start3A_947 = tpu.memref_slice %arg5[%add3A_940, %dma_start3A_946] : memref<32x104xi32, #tpu.memory_space<vmem>> -> memref<1x104xi32, #tpu.memory_space<vmem>>
        %dma_start3A_948 = tpu.memref_squeeze %dma_start3A_947 : memref<1x104xi32, #tpu.memory_space<vmem>> -> memref<104xi32, #tpu.memory_space<vmem>>
        %dma_start3A_949 = arith.constant 0 : i32
        %dma_start3A_950 = arith.constant 0 : i32
        %dma_start3A_951 = tpu.memref_slice %arg3[%dma_start3A_949, %dma_start3A_950] : memref<26000x128xf32, #tpu.memory_space<hbm>> -> memref<26000x128xf32, #tpu.memory_space<hbm>>
        tpu.enqueue_indirect_dma source(%dma_start3A_951 : memref<26000x128xf32, #tpu.memory_space<hbm>>) target(%arg7 : memref<104x128xf32, #tpu.memory_space<vmem>>) offsets(%dma_start3A_948 : memref<104xi32, #tpu.memory_space<vmem>>) semaphore(%arg10 : memref<!tpu.dma_semaphore, #tpu.memory_space<semaphore_mem>>)
      } else {
      }
    }
    %scan3A_18 = arith.constant 16 : i32
    %mul3A_19 = arith.constant 128 : i32
    %mul3A_20 = arith.muli %add3A, %mul3A_19 : i32
    %multiple_of3A = tpu.assume_multiple %mul3A_20, 8 : i32
    "tpu.region"() ({
      %run_scoped3A = tpu.sem_alloc : memref<!tpu.dma_semaphore, #tpu.memory_space<semaphore_mem>>
      %dma_start3A_21 = arith.constant 0 : i32
      %dma_start3A_22 = tpu.memref_slice %arg4[%multiple_of3A, %dma_start3A_21] : memref<4096x128xf32, #tpu.memory_space<hbm>> -> memref<128x128xf32, #tpu.memory_space<hbm>>
      %dma_start3A_23 = arith.constant 0 : i32
      %dma_start3A_24 = tpu.memref_slice %arg4[%multiple_of3A, %dma_start3A_23] : memref<4096x128xf32, #tpu.memory_space<hbm>> -> memref<128x128xf32, #tpu.memory_space<hbm>>
      tpu.enqueue_dma source(%arg8 : memref<128x128xf32, #tpu.memory_space<vmem>>) target(%dma_start3A_24 : memref<128x128xf32, #tpu.memory_space<hbm>>) target_semaphore(%run_scoped3A : memref<!tpu.dma_semaphore, #tpu.memory_space<semaphore_mem>>)
      %dma_wait3A = arith.constant 0 : i32
      %dma_wait3A_25 = tpu.memref_slice %arg4[%multiple_of3A, %dma_wait3A] : memref<4096x128xf32, #tpu.memory_space<hbm>> -> memref<128x128xf32, #tpu.memory_space<hbm>>
      %dma_wait3A_26 = arith.constant 0 : i32
      %dma_wait3A_27 = tpu.memref_slice %arg4[%multiple_of3A, %dma_wait3A_26] : memref<4096x128xf32, #tpu.memory_space<hbm>> -> memref<128x128xf32, #tpu.memory_space<hbm>>
      tpu.wait_dma2 semaphore(%run_scoped3A : memref<!tpu.dma_semaphore, #tpu.memory_space<semaphore_mem>>) src(%arg8 : memref<128x128xf32, #tpu.memory_space<vmem>>) dst(%dma_wait3A_27 : memref<128x128xf32, #tpu.memory_space<hbm>>)
      tpu.yield
    }) : () -> ()
    return
  }
}

module attributes {stable_mosaic.version = 14 : i64} {
  func.func @_decode_body(%arg0: i32, %arg1: memref<1024x128xf32, #tpu.memory_space<vmem>>, %arg2: memref<1024x10xf32, #tpu.memory_space<vmem>>, %arg3: memref<10x128xf32, #tpu.memory_space<vmem>>, %arg4: memref<10x128xf32, #tpu.memory_space<vmem>>, %arg5: memref<128x128xf32, #tpu.memory_space<vmem>>, %arg6: memref<1x128xf32, #tpu.memory_space<vmem>>, %arg7: memref<1024x128xf32, #tpu.memory_space<vmem>>) attributes {dimension_semantics = [#tpu.dimension_semantics<arbitrary>], iteration_bounds = array<i64: 4>, scalar_prefetch = 0 : i64, scratch_operands = 0 : i64, tpu.core_type = #tpu.core_type<tc>, window_params = [{transform_indices = @transform_0, window_bounds = array<i64: 1024, 128>}, {transform_indices = @transform_1, window_bounds = array<i64: 1024, 10>}, {pipeline_mode = #tpu.pipeline_mode<synchronous>, transform_indices = @transform_2, window_bounds = array<i64: 10, 128>}, {pipeline_mode = #tpu.pipeline_mode<synchronous>, transform_indices = @transform_3, window_bounds = array<i64: 10, 128>}, {pipeline_mode = #tpu.pipeline_mode<synchronous>, transform_indices = @transform_4, window_bounds = array<i64: 128, 128>}, {pipeline_mode = #tpu.pipeline_mode<synchronous>, transform_indices = @transform_5, window_bounds = array<i64: 1, 128>}, {transform_indices = @transform_6, window_bounds = array<i64: 1024, 128>}]} {
    %get3A = arith.constant 0 : index
    %get3A_0 = arith.constant 0 : index
    %get3A_1 = vector.load %arg1[%get3A, %get3A_0] : memref<1024x128xf32, #tpu.memory_space<vmem>>, vector<1024x128xf32>
    %get3A_2 = arith.constant 0 : index
    %get3A_3 = arith.constant 0 : index
    %get3A_4 = vector.load %arg2[%get3A_2, %get3A_3] : memref<1024x10xf32, #tpu.memory_space<vmem>>, vector<1024x10xf32>
    %get3A_5 = arith.constant 0 : index
    %get3A_6 = arith.constant 0 : index
    %get3A_7 = vector.load %arg3[%get3A_5, %get3A_6] : memref<10x128xf32, #tpu.memory_space<vmem>>, vector<10x128xf32>
    %dot_general3A = arith.constant dense<0.000000e+00> : vector<1024x128xf32>
    %dot_general3A_8 = tpu.matmul %get3A_4, %get3A_7, %dot_general3A {dimension_numbers = #tpu.dot_dimension_numbers<[1], [0], [0], [1], [0, 0, 1, 1], [], []>, transpose_lhs_hint = false} : vector<1024x10xf32>, vector<10x128xf32>, vector<1024x128xf32> -> vector<1024x128xf32>
    %add3A = arith.addf %get3A_1, %dot_general3A_8 : vector<1024x128xf32>
    %get3A_9 = arith.constant 0 : index
    %get3A_10 = arith.constant 0 : index
    %get3A_11 = vector.load %arg4[%get3A_9, %get3A_10] : memref<10x128xf32, #tpu.memory_space<vmem>>, vector<10x128xf32>
    %reduce_sum3A = arith.constant dense<0.000000e+00> : vector<128xf32>
    %reduce_sum3A_12 = vector.multi_reduction <add>, %get3A_11, %reduce_sum3A [0] : vector<10x128xf32> to vector<128xf32>
    %broadcast_in_dim3A = vector.shape_cast %reduce_sum3A_12 : vector<128xf32> to vector<1x128xf32>
    %add3A_13 = vector.broadcast %broadcast_in_dim3A : vector<1x128xf32> to vector<1024x128xf32>
    %add3A_14 = arith.addf %add3A, %add3A_13 : vector<1024x128xf32>
    %mul3A = arith.constant 0.027777778 : f32
    %mul3A_15 = vector.broadcast %mul3A : f32 to vector<1024x128xf32>
    %mul3A_16 = arith.mulf %add3A_14, %mul3A_15 : vector<1024x128xf32>
    %get3A_17 = arith.constant 0 : index
    %get3A_18 = arith.constant 0 : index
    %get3A_19 = vector.load %arg5[%get3A_17, %get3A_18] : memref<128x128xf32, #tpu.memory_space<vmem>>, vector<128x128xf32>
    %dot_general3A_20 = arith.constant dense<0.000000e+00> : vector<1024x128xf32>
    %dot_general3A_21 = tpu.matmul %mul3A_16, %get3A_19, %dot_general3A_20 {dimension_numbers = #tpu.dot_dimension_numbers<[1], [0], [0], [1], [0, 0, 1, 1], [], []>, transpose_lhs_hint = false} : vector<1024x128xf32>, vector<128x128xf32>, vector<1024x128xf32> -> vector<1024x128xf32>
    %get3A_22 = arith.constant 0 : index
    %get3A_23 = arith.constant 0 : index
    %get3A_24 = vector.load %arg6[%get3A_22, %get3A_23] : memref<1x128xf32, #tpu.memory_space<vmem>>, vector<1x128xf32>
    %add3A_25 = vector.broadcast %get3A_24 : vector<1x128xf32> to vector<1024x128xf32>
    %add3A_26 = arith.addf %dot_general3A_21, %add3A_25 : vector<1024x128xf32>
    %swap3A = arith.constant 0 : index
    %swap3A_27 = arith.constant 0 : index
    %swap3A_28 = vector.load %arg7[%swap3A, %swap3A_27] : memref<1024x128xf32, #tpu.memory_space<vmem>>, vector<1024x128xf32>
    tpu.vector_store %arg7[%swap3A, %swap3A_27], %add3A_26 {strides = array<i32>} : memref<1024x128xf32, #tpu.memory_space<vmem>>, vector<1024x128xf32>,
    return
  }
  func.func @transform_0(%arg0: i32) -> (i32, i32) {
    %c0_i32 = arith.constant 0 : i32
    %c0_i32_0 = arith.constant 0 : i32
    return %arg0, %c0_i32 : i32, i32
  }
  func.func @transform_1(%arg0: i32) -> (i32, i32) {
    %c0_i32 = arith.constant 0 : i32
    %c0_i32_0 = arith.constant 0 : i32
    return %arg0, %c0_i32 : i32, i32
  }
  func.func @transform_2(%arg0: i32) -> (i32, i32) {
    %c0_i32 = arith.constant 0 : i32
    %c0_i32_0 = arith.constant 0 : i32
    %c0_i32_1 = arith.constant 0 : i32
    return %c0_i32, %c0_i32_0 : i32, i32
  }
  func.func @transform_3(%arg0: i32) -> (i32, i32) {
    %c0_i32 = arith.constant 0 : i32
    %c0_i32_0 = arith.constant 0 : i32
    %c0_i32_1 = arith.constant 0 : i32
    return %c0_i32, %c0_i32_0 : i32, i32
  }
  func.func @transform_4(%arg0: i32) -> (i32, i32) {
    %c0_i32 = arith.constant 0 : i32
    %c0_i32_0 = arith.constant 0 : i32
    %c0_i32_1 = arith.constant 0 : i32
    return %c0_i32, %c0_i32_0 : i32, i32
  }
  func.func @transform_5(%arg0: i32) -> (i32, i32) {
    %c0_i32 = arith.constant 0 : i32
    %c0_i32_0 = arith.constant 0 : i32
    %c0_i32_1 = arith.constant 0 : i32
    return %c0_i32, %c0_i32_0 : i32, i32
  }
  func.func @transform_6(%arg0: i32) -> (i32, i32) {
    %c0_i32 = arith.constant 0 : i32
    %c0_i32_0 = arith.constant 0 : i32
    return %arg0, %c0_i32 : i32, i32
  }
}

</mosaic_0001>

<sc_bundles>
// kernel: kernel.4.cloned.1.call-start
scs
__scs_entry_jumppad:
0x0: {  	(pc) =	sbr.rel $0x88, $3  }
0x1: {  	(tag) =	ssettag $0x0;
	lr =	simm.s32 $0x1  }
0x2: {  	[smem:$0x3F9A] =	sst lr;
	_ =	strace $0xD0000000  }
0x3: {  	_ = 	snop  }
0x4: {  	_ = 	snop  }
0x5: {  	_ = 	snop  }
0x6: {  	_ = 	snop  }
0x7: {  	_ = 	snop  }
__scs_overlays_trampoline_lowered:
0x8: {  	[smem:$0x3FA9] =	sst s0  }
0x9: {  	[smem:$0x3FAA] =	sst s1  }
0xa: {  	[smem:$0x3FAB] =	sst s2  }
0xb: {  	[smem:$0x3FAC] =	sst s3  }
0xc: {  	[smem:$0x3FAD] =	sst s4  }
0xd: {  	[smem:$0x3FAE] =	sst s5  }
0xe: {  	[smem:$0x3FAF] =	sst s6  }
0xf: {  	[smem:$0x3FB0] =	sst s7  }
0x10: {  	[smem:$0x3FB1] =	sst s8  }
0x11: {  	[smem:$0x3FB2] =	sst s9;
	s0 =	simm.s32 @!p0 $0x0  }
0x12: {  	s1 =	sld [smem:$0x3F98];
	s0 =	simm.s32 @p0 $0x1  }
0x13: {  	[smem:$0x3FB3] =	sst s0;
	s0 =	simm.s32 @!p1 $0x0  }
0x14: {  	s2 =	sld [smem:$0x3F97];
	s0 =	simm.s32 @p1 $0x1  }
0x15: {  	[smem:$0x3FB4] =	sst s0;
	s0 =	simm.s32 @!p2 $0x0  }
0x16: {  	s3 =	sld [smem:$0x3FDB];
	s0 =	simm.s32 @p2 $0x1  }
0x17: {  	s4 =	simm.s32 $0x1BF5;
	[smem:$0x3FB6] =	sst s0  }
0x18: {  	s0 =	sld [smem:$0x3F99];
	_ =	swait.ge [sflag:s4], $0x0  }
0x19: {  	s7 =	sld [smem:$0x3F9A]  }
0x1a: {  	s8 =	sadd.s32 $0xFFFFE003, lr  }
0x1b: {  	s9 =	sadd.s32 $0xFFFFFEF7, lr;
	s5 =	simm.s32 $0xFFFFFFFF;
	p2 =	slt.u32 s8, $0xFFFFF086  }
0x1c: {  	p1 =	slt.u32 s9, $0xF7A;
	s5 =	simm.s32 @!p2 $0x0  }
0x1d: {  	s5 =	simm.s32 @p1 $0x1;
	p0 =	seq.s32 s7, s2  }
0x1e: {  	s7 =	smul.u32 @!p0 $0xF7A, s2;
	p2 =	seq.s32 @!p0 s5, $0x0  }
0x1f: {  	s9 =	smul.u32 $0xF7A, s1;
	s8 =	simm.s32 @!p0 $0x1BF5;
	p2 =	por !p2, p0  }
0x20: {  	[sflag:s8] =	ssyncset.s32 @!p0 $0xFFFFF086;
	s6 =	sadd.s32 @!p0 s3, s7;
	s7 =	simm.s32 @!p0 $0x108  }
0x21: {  	s3 =	sadd.s32 s3, s9;
	s6 =	sadd.s32 @!p0 $0x88, s6;
	s7 =	simm.s32 @p2 $0x1082  }
0x22: {  	[simem:s7], [sflag:s8] =	dma.local @!p0 [hbm:s6], $0xF7A  }
0x23: {  	s9 =	sor.u32 $0xD0000000, s2;
	s6 =	simm.s32 $0x108;
	_ =	swait.ge @!p0 [sflag:s8], $0x0  }
0x24: {  	s3 =	sadd.s32 $0x88, s3;
	s6 =	simm.s32 @!p1 $0x1082;
	[sflag:s4] =	ssyncset.s32 $0xFFFFF086  }
0x25: {  	[simem:s6], [sflag:s4] =	dma.local [hbm:s3], $0xF7A  }
0x26: {  	[smem:$0x3F9A] =	sst s1;
	(tag) =	ssettag s2;
	_ =	strace s9  }
0x27: {  	s1 =	sld [smem:$0x3FAA]  }
0x28: {  	s2 =	sld [smem:$0x3FAB]  }
0x29: {  	s4 =	sld [smem:$0x3FAD]  }
0x2a: {  	p0 =	seq.s32 s5, $0x0;
	s5 =	sld [smem:$0x3FAE]  }
0x2b: {  	s6 =	sld [smem:$0x3FAF]  }
0x2c: {  	s7 =	sld [smem:$0x3FB0]  }
0x2d: {  	s3 =	simm.s32 $0x108;
	s8 =	sld [smem:$0x3FB1]  }
0x2e: {  	s3 =	simm.s32 @!p0 $0x1082;
	s9 =	sld [smem:$0x3FB2]  }
0x2f: {  	lr =	sadd.s32 s0, s3;
	s0 =	sld [smem:$0x3FA9]  }
0x30: {  	s3 =	sld [smem:$0x3FAC]  }
0x31: {  	[smem:$0x3FB5] =	sst s10  }
0x32: {  	s10 =	sld [smem:$0x3FB3];
	_ =	sdelay $0x3  }
0x33: {  	p0 =	seq.s32 s10, $0x1;
	s10 =	sld [smem:$0x3FB5];
	_ =	sdelay $0x3  }
0x34: {  	[smem:$0x3FB5] =	sst s10  }
0x35: {  	s10 =	sld [smem:$0x3FB4];
	_ =	sdelay $0x3  }
0x36: {  	p1 =	seq.s32 s10, $0x1;
	s10 =	sld [smem:$0x3FB5];
	_ =	sdelay $0x3  }
0x37: {  	[smem:$0x3FB5] =	sst s10  }
0x38: {  	s10 =	sld [smem:$0x3FB6]  }
0x39: {  	_ = 	snop;
	(pc) =	sbr.ind lr, $3  }
0x3a: {  	_ = 	snop  }
0x3b: {  	_ = 	snop  }
0x3c: {  	p2 =	seq.s32 s10, $0x1;
	s10 =	sld [smem:$0x3FB5]  }
0x3d: {  	_ =	shalt  }
0x3e: {  	_ =	shalt  }
0x3f: {  	_ =	shalt  }
0x40: {  	_ =	shalt  }
0x41: {  	_ =	shalt  }
0x42: {  	_ =	shalt  }
0x43: {  	_ =	shalt  }
0x44: {  	_ =	shalt  }
0x45: {  	_ =	shalt  }
0x46: {  	_ =	shalt  }
0x47: {  	_ =	shalt  }
0x48: {  	_ =	shalt  }
0x49: {  	_ =	shalt  }
0x4a: {  	_ =	shalt  }
0x4b: {  	_ =	shalt  }
0x4c: {  	_ =	shalt  }
0x4d: {  	_ =	shalt  }
0x4e: {  	_ =	shalt  }
0x4f: {  	_ =	shalt  }
0x50: {  	_ =	shalt  }
0x51: {  	_ =	shalt  }
0x52: {  	_ =	shalt  }
0x53: {  	_ =	shalt  }
0x54: {  	_ =	shalt  }
0x55: {  	_ =	shalt  }
0x56: {  	_ =	shalt  }
0x57: {  	_ =	shalt  }
0x58: {  	_ =	shalt  }
0x59: {  	_ =	shalt  }
0x5a: {  	_ =	shalt  }
0x5b: {  	_ =	shalt  }
0x5c: {  	_ =	shalt  }
0x5d: {  	_ =	shalt  }
0x5e: {  	_ =	shalt  }
0x5f: {  	_ =	shalt  }
0x60: {  	_ =	shalt  }
0x61: {  	_ =	shalt  }
0x62: {  	_ =	shalt  }
0x63: {  	_ =	shalt  }
0x64: {  	_ =	shalt  }
0x65: {  	_ =	shalt  }
0x66: {  	_ =	shalt  }
0x67: {  	_ =	shalt  }
0x68: {  	_ =	shalt  }
0x69: {  	_ =	shalt  }
0x6a: {  	_ =	shalt  }
0x6b: {  	_ =	shalt  }
0x6c: {  	_ =	shalt  }
0x6d: {  	_ =	shalt  }
0x6e: {  	_ =	shalt  }
0x6f: {  	_ =	shalt  }
0x70: {  	_ =	shalt  }
0x71: {  	_ =	shalt  }
0x72: {  	_ =	shalt  }
0x73: {  	_ =	shalt  }
0x74: {  	_ =	shalt  }
0x75: {  	_ =	shalt  }
0x76: {  	_ =	shalt  }
0x77: {  	_ =	shalt  }
0x78: {  	_ =	shalt  }
0x79: {  	_ =	shalt  }
0x7a: {  	_ =	shalt  }
0x7b: {  	_ =	shalt  }
0x7c: {  	_ =	shalt  }
0x7d: {  	_ =	shalt  }
0x7e: {  	_ =	shalt  }
0x7f: {  	_ =	shalt  }
0x80: {  	_ =	shalt  }
0x81: {  	_ =	shalt  }
0x82: {  	_ =	shalt  }
0x83: {  	_ =	shalt  }
0x84: {  	_ =	shalt  }
0x85: {  	_ =	shalt  }
0x86: {  	_ =	shalt  }
0x87: {  	_ =	shalt  }
.Lfunc_end0:
.L_simem_size_0:
called_computation_lowered:
.L_overlay_start_0:
0x88: {  	s2 =	sld [smem:$0x3FD9]  }
0x89: {  	s3 =	sld [smem:$0x3FFE];
	_ =	sdelay $0x1  }
0x8a: {  	s1 =	srdreg.scid  }
0x8b: {  	s0 =	sand.u32 $0x1, s1  }
0x8c: {  	s17 =	sshll.u32 s0, $0xA;
	s2 =	sadd.s32 s3, s2  }
0x8d: {  	s2 =	sadd.s32 s2, s17  }
0x8e: {  	[smem:$0x3FC1] =	sst s2  }
0x8f: {  	_ = 	snop  }
0x90: {  	s2 =	sld [smem:$0x3FC7]  }
0x91: {  	s18 =	sld [smem:$0x3FD0];
	(tm) =	ssettm $0x1  }
0x92: {  	s4 =	sld [smem:$0x3FFB];
	_ =	sdelay $0x3  }
0x93: {  	_ =	strace s4  }
0x94: {  	s4 =	sld [smem:$0x3FFC];
	_ =	sdelay $0x3  }
0x95: {  	_ =	strace s4  }
0x96: {  	s4 =	sld [smem:$0x3FFD];
	_ =	sdelay $0x3  }
0x97: {  	_ =	strace s4  }
0x98: {  	_ =	strace $0x8FFFFFFF  }
0x99: {  	s19 =	sld [smem:$0x3FDB];
	_ =	sdelay $0x1  }
0x9a: {  	s5 =	simm.s32 $_scs_section_size  }
0x9b: {  	s6 =	simm.s32 $_size__tile_overlayer_lowered;
	s7 =	simm.s32 $_tile_overlayer_lowered  }
0x9c: {  	s22 =	simm.s32 $0x1BFF;
	s21 =	sshll.u32 s7, $0x1;
	s4 =	sadd.s32 s5, s19  }
0x9d: {  	s8 =	simm.s32 $0x0;
	s20 =	sshll.u32 s6, $0x1;
	s6 =	sadd.s32 s21, s4  }
0x9e: {  	[timem:s8], [sflag:s22] =	dma.local [hbm:s6], s20  }
0x9f: {  	_ =	swait.ge [sflag:s22], s20  }
0xa0: {  	s5 =	ssub.s32 $0x0, s20;
	[sflag:s22] =	ssyncset.done $0x0  }
0xa1: {  	[sflag:s22] =	ssyncadd.s32 s5;
	_ =	sdelay $0x1  }
0xa2: {  	s23 =	simm.s32 $0x1B8B  }
0xa3: {  	_ =	swait.ge [sflag:s23], $0x1  }
0xa4: {  	[sflag:s23] =	ssyncset.done $0x0  }
0xa5: {  	s25 =	simm.s32 $0x1B8E;
	s24 =	sld [smem:$0x3FFE];
	[sflag:s23] =	ssyncadd.s32 $0xFFFFFFFF  }
0xa6: {  	s26 =	simm.s32 $execute0_lowered;
	[smem:$0x3FD2] =	sst s25  }
0xa7: {  	s6 =	sshll.u32 s26, $0x1;
	_ =	strace $0x80000046;
	[dreg:$0x1] =	wrdreg $0xFFFFFFFF  }
0xa8: {  	s28 =	simm.s32 $_size_execute0_lowered;
	s4 =	sadd.s32 s4, s6;
	[dreg:$0x0] =	wrdreg $0x0  }
0xa9: {  	s6 =	sshll.u32 s28, $0x1;
	[dreg:$0x2] =	wrdreg s4  }
0xaa: {  	[dreg:$0x3] =	wrdreg s6  }
0xab: {  	[dreg:$0x4] =	wrdreg $0xC0  }
0xac: {  	_ =	task [dreg:s8], $0x5FFFF  }
0xad: {  	[dreg:$0x1] =	wrdreg $0xFFFFFFFF  }
0xae: {  	[dreg:$0x0] =	wrdreg $0x60  }
0xaf: {  	[dreg:$0x2] =	wrdreg s24  }
0xb0: {  	[dreg:$0x3] =	wrdreg s2  }
0xb1: {  	[dreg:$0x4] =	wrdreg s18  }
0xb2: {  	[dreg:$0x5] =	wrdreg $0x9  }
0xb3: {  	_ =	task.clear_ibuf [dreg:s8], $0x6FFFF;
	_ =	strace $0x90000046  }
0xb4: {  	s29 =	simm.s32 $0x9;
	_ =	strace $0x80000048  }
0xb5: {  	_ =	swait.ge [sflag:s29], $0x1  }
0xb6: {  	[sflag:s29] =	ssyncadd.s32 $0xFFFFFFFF  }
0xb7: {  	_ =	strace $0x90000048  }
0xb8: {  	_ =	sfence  }
0xb9: {  	s30 =	sld [smem:$0x0];
	_ =	sdelay $0x2  }
0xba: {  	s31 =	sshll.u32 s1, $0xD;
	s1 =	sshrl.u32 s1, $0x2  }
0xbb: {  	s3 =	sand.u32 $0x4000, s31;
	s1 =	sadd.s32 s1, s30  }
0xbc: {  	s0 =	sor.u32 s3, s0;
	s1 =	sshll.u32 s1, $0x11  }
0xbd: {  	s0 =	sor.u32 s1, s0  }
0xbe: {  	s0 =	sadd.s32 $0x8F2B, s0  }
0xbf: {  	[sflag:s0] =	ssyncadd.remote.s32 $0x1  }
0xc0: {  	_ =	sfence.sel $0xFFFF  }
0xc1: {  	[dreg:$0x0] =	wrdreg $0xFFFFFFFF;
	(pc) =	sbr.abs _section_cstart, $3  }
0xc2: {  	[dreg:$0x1] =	wrdreg $0xFFFFFFFF  }
0xc3: {  	_ =	task.clear_ibuf [dreg:s8], $0x2FFFF;
	_ =	strace $0x9FFFFFFF  }
0xc4: {  	(tm) =	ssettm $0x7FFFFFFF  }
0xc5: {  	_ =	shalt  }
tec
execute0_lowered:
.L_overlay_start_1:
0x0: {  	(tag) =	ssettag $0x1  }
0x1: {  	s4 =	rddreg [dreg:$0x0]  }
0x2: {  	s2 =	rddreg [dreg:$0x1]  }
0x3: {  	s5 =	rddreg [dreg:$0x2]  }
0x4: {  	s0 =	rddreg [dreg:$0x3]  }
0x5: {  	s6 =	srdreg.scid;
	s1 =	stileid.u32;
	s3 =	simm.s32 $0x0  }
0x6: {  	s10 =	simm.s32 $0x80;
	s11 =	simm.s32 $0x4400;
	s12 =	simm.s32 $0x1  }
0x7: {  	s13 =	simm.s32 $0x2;
	s14 =	simm.s32 $0x7800;
	s15 =	simm.s32 $0x0  }
0x8: {  	s6 =	sand.u32 $0x1, s6;
	s7 =	sshll.u32 s1, $0x1;
	[smem:$0x7FF] =	sst s3  }
.Ltmp0:
0x9: {  	s7 =	sor.u32 s6, s7;
	s6 =	ssub.s32 $0x2, s6;
	(pc) =	sbr.rel .LBB2_1-.Ltmp0, $4  }
0xa: {  	_ =	strace $0x80000047;
	s8 =	sshll.u32 s7, $0x9;
	s9 =	sshrl.u32 s6, $0x1  }
0xb: {  	s7 =	sshll.u32 s7, $0xB;
	s4 =	sadd.s32 s8, s4;
	s6 =	ssub.s32 s6, s9  }
0xc: {  	s5 =	sadd.s32 s5, s7;
	s7 =	simm.s32 $0x3;
	s8 =	simm.s32 $0x68  }
0xd: {  	s9 =	simm.s32 $0x1000;
	s4 =	sadd.s32 $0x1000, s4;
	s6 =	smax.u32 s6, $0x1  }
.LBB2_4:
0xe: {  	s15 =	sadd.s32 $0x1, s15  }
0xf: {  	p0 =	sne.s32 s15, s6  }
.Ltmp1:
0x10: {  	_ = 	snop;
	(pc) =	sbr.rel @!p0 .LBB2_5-.Ltmp1, $4  }
0x11: {  	[hbm4b:s5+s3] =	stream.linear.scatter [tilespmem:s14], [sflag:$0x3], $0x4000, $0x38;
	[tilespmem:$0xB800] =	vst v63  }
0x12: {  	_ =	swait.ge [sflag:s7], $0x4000  }
0x13: {  	[sflag:s7] =	ssyncset.done $0x0  }
0x14: {  	[sflag:s7] =	ssyncadd.s32 $0xFFFFC000  }
.LBB2_1:
0x15: {  	[tilespmem:s3], [sflag:$0x3] =	stream.linear.gather [hbm4b:s4+s3], $0x1000, $0x38;
	[tilespmem:$0xB800] =	vst v63  }
0x16: {  	_ =	swait.ge [sflag:s7], $0x1000  }
0x17: {  	[sflag:s7] =	ssyncset.done $0x0  }
0x18: {  	[sflag:s7] =	ssyncadd.s32 $0xFFFFF000  }
0x19: {  	[tilespmem:s9], [sflag:$0x1] =	stream.indirect.gather [hbm4b:s2+s8], $0x80, s3, s8, $0xb8;
	[tilespmem:$0xB800] =	vst v63  }
0x1a: {  	s16 =	simm.s32 $0xFFFFC400;
	s17 =	simm.s32 $0x7A00  }
0x1b: {  	[tilespmem:s11], [sflag:$0x2] =	stream.indirect.gather [hbm4b:s2+s8], $0x80, s10, s8, $0xb8;
	[tilespmem:$0xB800] =	vst v63  }
.LBB2_2:
0x1c: {  	_ =	swait.ge [sflag:s12], $0x3400  }
0x1d: {  	[sflag:s12] =	ssyncset.done $0x0  }
0x1e: {  	[sflag:s12] =	ssyncadd.s32 $0xFFFFCC00  }
0x1f: {  	v0 =	vld [tilespmem:$0x1000];
	_ =	sdelay $0x4  }
0x20: {  	[tilespmem:s17+$0xFFFFFE00] =	vst v0  }
0x21: {  	v0 =	vld [tilespmem:$0x1010];
	_ =	sdelay $0x4  }
0x22: {  	[tilespmem:s17+$0xFFFFFE10] =	vst v0  }
0x23: {  	v0 =	vld [tilespmem:$0x1020];
	_ =	sdelay $0x4  }
0x24: {  	[tilespmem:s17+$0xFFFFFE20] =	vst v0  }
0x25: {  	v0 =	vld [tilespmem:$0x1030];
	_ =	sdelay $0x4  }
0x26: {  	[tilespmem:s17+$0xFFFFFE30] =	vst v0  }
0x27: {  	v0 =	vld [tilespmem:$0x1040];
	_ =	sdelay $0x4  }
0x28: {  	[tilespmem:s17+$0xFFFFFE40] =	vst v0  }
0x29: {  	v0 =	vld [tilespmem:$0x1050];
	_ =	sdelay $0x4  }
0x2a: {  	[tilespmem:s17+$0xFFFFFE50] =	vst v0  }
0x2b: {  	v0 =	vld [tilespmem:$0x1060];
	_ =	sdelay $0x4  }
0x2c: {  	[tilespmem:s17+$0xFFFFFE60] =	vst v0  }
0x2d: {  	v0 =	vld [tilespmem:$0x1070];
	_ =	sdelay $0x4  }
0x2e: {  	[tilespmem:s17+$0xFFFFFE70] =	vst v0  }
0x2f: {  	v0 =	vld [tilespmem:$0x1D00];
	_ =	sdelay $0x4  }
0x30: {  	[tilespmem:s17+$0xFFFFFE80] =	vst v0  }
0x31: {  	v0 =	vld [tilespmem:$0x1D10];
	_ =	sdelay $0x4  }
0x32: {  	[tilespmem:s17+$0xFFFFFE90] =	vst v0  }
0x33: {  	v0 =	vld [tilespmem:$0x1D20];
	_ =	sdelay $0x4  }
0x34: {  	[tilespmem:s17+$0xFFFFFEA0] =	vst v0  }
0x35: {  	v0 =	vld [tilespmem:$0x1D30];
	_ =	sdelay $0x4  }
0x36: {  	[tilespmem:s17+$0xFFFFFEB0] =	vst v0  }
0x37: {  	v0 =	vld [tilespmem:$0x1D40];
	_ =	sdelay $0x4  }
0x38: {  	[tilespmem:s17+$0xFFFFFEC0] =	vst v0  }
0x39: {  	v0 =	vld [tilespmem:$0x1D50];
	_ =	sdelay $0x4  }
0x3a: {  	[tilespmem:s17+$0xFFFFFED0] =	vst v0  }
0x3b: {  	v0 =	vld [tilespmem:$0x1D60];
	_ =	sdelay $0x4  }
0x3c: {  	[tilespmem:s17+$0xFFFFFEE0] =	vst v0  }
0x3d: {  	v0 =	vld [tilespmem:$0x1D70];
	_ =	sdelay $0x4  }
0x3e: {  	[tilespmem:s17+$0xFFFFFEF0] =	vst v0  }
0x3f: {  	v0 =	vld [tilespmem:$0x2A00];
	_ =	sdelay $0x4  }
0x40: {  	[tilespmem:s17+$0xFFFFFF00] =	vst v0  }
0x41: {  	v0 =	vld [tilespmem:$0x2A10];
	_ =	sdelay $0x4  }
0x42: {  	[tilespmem:s17+$0xFFFFFF10] =	vst v0  }
0x43: {  	v0 =	vld [tilespmem:$0x2A20];
	_ =	sdelay $0x4  }
0x44: {  	[tilespmem:s17+$0xFFFFFF20] =	vst v0  }
0x45: {  	v0 =	vld [tilespmem:$0x2A30];
	_ =	sdelay $0x4  }
0x46: {  	[tilespmem:s17+$0xFFFFFF30] =	vst v0  }
0x47: {  	v0 =	vld [tilespmem:$0x2A40];
	_ =	sdelay $0x4  }
0x48: {  	[tilespmem:s17+$0xFFFFFF40] =	vst v0  }
0x49: {  	v0 =	vld [tilespmem:$0x2A50];
	_ =	sdelay $0x4  }
0x4a: {  	[tilespmem:s17+$0xFFFFFF50] =	vst v0  }
0x4b: {  	v0 =	vld [tilespmem:$0x2A60];
	_ =	sdelay $0x4  }
0x4c: {  	[tilespmem:s17+$0xFFFFFF60] =	vst v0  }
0x4d: {  	v0 =	vld [tilespmem:$0x2A70];
	_ =	sdelay $0x4  }
0x4e: {  	[tilespmem:s17+$0xFFFFFF70] =	vst v0  }
0x4f: {  	v0 =	vld [tilespmem:$0x3700];
	_ =	sdelay $0x4  }
0x50: {  	[tilespmem:s17+$0xFFFFFF80] =	vst v0  }
0x51: {  	v0 =	vld [tilespmem:$0x3710];
	_ =	sdelay $0x4  }
0x52: {  	[tilespmem:s17+$0xFFFFFF90] =	vst v0  }
0x53: {  	v0 =	vld [tilespmem:$0x3720];
	_ =	sdelay $0x4  }
0x54: {  	[tilespmem:s17+$0xFFFFFFA0] =	vst v0  }
0x55: {  	v0 =	vld [tilespmem:$0x3730];
	_ =	sdelay $0x4  }
0x56: {  	[tilespmem:s17+$0xFFFFFFB0] =	vst v0  }
0x57: {  	v0 =	vld [tilespmem:$0x3740];
	_ =	sdelay $0x4  }
0x58: {  	[tilespmem:s17+$0xFFFFFFC0] =	vst v0  }
0x59: {  	v0 =	vld [tilespmem:$0x3750];
	_ =	sdelay $0x4  }
0x5a: {  	[tilespmem:s17+$0xFFFFFFD0] =	vst v0  }
0x5b: {  	v0 =	vld [tilespmem:$0x3760];
	_ =	sdelay $0x4  }
0x5c: {  	[tilespmem:s17+$0xFFFFFFE0] =	vst v0  }
0x5d: {  	v0 =	vld [tilespmem:$0x3770];
	_ =	sdelay $0x2  }
0x5e: {  	p0 =	seq.s32 s16, $0x0  }
0x5f: {  	s18 =	sshra.s32 @!p0 s16, $0x2  }
0x60: {  	s19 =	simm.s32 @!p0 $0x68;
	s20 =	simm.s32 @!p0 $0x1000;
	s18 =	sadd.s32 @!p0 $0x1000, s18;
	[tilespmem:s17+$0xFFFFFFF0] =	vst v0  }
0x61: {  	[tilespmem:s20], [sflag:$0x1] =	stream.indirect.gather @!p0 [hbm4b:s2+s19], $0x80, s18, s19, $0xb8;
	[tilespmem:$0xB800] =	vst v63  }
0x62: {  	_ =	swait.ge [sflag:s13], $0x3400  }
0x63: {  	[sflag:s13] =	ssyncset.done $0x0  }
0x64: {  	[sflag:s13] =	ssyncadd.s32 $0xFFFFCC00  }
0x65: {  	v63 =	vld [tilespmem:$0x4400];
	_ =	sdelay $0x4  }
0x66: {  	[tilespmem:s17+$0x0] =	vst v63  }
0x67: {  	v0 =	vld [tilespmem:$0x4410];
	_ =	sdelay $0x4  }
0x68: {  	[tilespmem:s17+$0x10] =	vst v0  }
0x69: {  	v0 =	vld [tilespmem:$0x4420];
	_ =	sdelay $0x4  }
0x6a: {  	[tilespmem:s17+$0x20] =	vst v0  }
0x6b: {  	v0 =	vld [tilespmem:$0x4430];
	_ =	sdelay $0x4  }
0x6c: {  	[tilespmem:s17+$0x30] =	vst v0  }
0x6d: {  	v0 =	vld [tilespmem:$0x4440];
	_ =	sdelay $0x4  }
0x6e: {  	[tilespmem:s17+$0x40] =	vst v0  }
0x6f: {  	v0 =	vld [tilespmem:$0x4450];
	_ =	sdelay $0x4  }
0x70: {  	[tilespmem:s17+$0x50] =	vst v0  }
0x71: {  	v0 =	vld [tilespmem:$0x4460];
	_ =	sdelay $0x4  }
0x72: {  	[tilespmem:s17+$0x60] =	vst v0  }
0x73: {  	v0 =	vld [tilespmem:$0x4470];
	_ =	sdelay $0x4  }
0x74: {  	[tilespmem:s17+$0x70] =	vst v0  }
0x75: {  	v0 =	vld [tilespmem:$0x5100];
	_ =	sdelay $0x4  }
0x76: {  	[tilespmem:s17+$0x80] =	vst v0  }
0x77: {  	v0 =	vld [tilespmem:$0x5110];
	_ =	sdelay $0x4  }
0x78: {  	[tilespmem:s17+$0x90] =	vst v0  }
0x79: {  	v0 =	vld [tilespmem:$0x5120];
	_ =	sdelay $0x4  }
0x7a: {  	[tilespmem:s17+$0xA0] =	vst v0  }
0x7b: {  	v0 =	vld [tilespmem:$0x5130];
	_ =	sdelay $0x4  }
0x7c: {  	[tilespmem:s17+$0xB0] =	vst v0  }
0x7d: {  	v0 =	vld [tilespmem:$0x5140];
	_ =	sdelay $0x4  }
0x7e: {  	[tilespmem:s17+$0xC0] =	vst v0  }
0x7f: {  	v0 =	vld [tilespmem:$0x5150];
	_ =	sdelay $0x4  }
0x80: {  	[tilespmem:s17+$0xD0] =	vst v0  }
0x81: {  	v0 =	vld [tilespmem:$0x5160];
	_ =	sdelay $0x4  }
0x82: {  	[tilespmem:s17+$0xE0] =	vst v0  }
0x83: {  	v0 =	vld [tilespmem:$0x5170];
	_ =	sdelay $0x4  }
0x84: {  	[tilespmem:s17+$0xF0] =	vst v0  }
0x85: {  	v0 =	vld [tilespmem:$0x5E00];
	_ =	sdelay $0x4  }
0x86: {  	[tilespmem:s17+$0x100] =	vst v0  }
0x87: {  	v0 =	vld [tilespmem:$0x5E10];
	_ =	sdelay $0x4  }
0x88: {  	[tilespmem:s17+$0x110] =	vst v0  }
0x89: {  	v0 =	vld [tilespmem:$0x5E20];
	_ =	sdelay $0x4  }
0x8a: {  	[tilespmem:s17+$0x120] =	vst v0  }
0x8b: {  	v0 =	vld [tilespmem:$0x5E30];
	_ =	sdelay $0x4  }
0x8c: {  	[tilespmem:s17+$0x130] =	vst v0  }
0x8d: {  	v0 =	vld [tilespmem:$0x5E40];
	_ =	sdelay $0x4  }
0x8e: {  	[tilespmem:s17+$0x140] =	vst v0  }
0x8f: {  	v0 =	vld [tilespmem:$0x5E50];
	_ =	sdelay $0x4  }
0x90: {  	[tilespmem:s17+$0x150] =	vst v0  }
0x91: {  	v0 =	vld [tilespmem:$0x5E60];
	_ =	sdelay $0x4  }
0x92: {  	[tilespmem:s17+$0x160] =	vst v0  }
0x93: {  	v0 =	vld [tilespmem:$0x5E70];
	_ =	sdelay $0x4  }
0x94: {  	[tilespmem:s17+$0x170] =	vst v0  }
0x95: {  	v0 =	vld [tilespmem:$0x6B00];
	_ =	sdelay $0x4  }
0x96: {  	[tilespmem:s17+$0x180] =	vst v0  }
0x97: {  	v0 =	vld [tilespmem:$0x6B10];
	_ =	sdelay $0x4  }
0x98: {  	[tilespmem:s17+$0x190] =	vst v0  }
0x99: {  	v0 =	vld [tilespmem:$0x6B20];
	_ =	sdelay $0x4  }
0x9a: {  	[tilespmem:s17+$0x1A0] =	vst v0  }
0x9b: {  	v0 =	vld [tilespmem:$0x6B30];
	_ =	sdelay $0x4  }
0x9c: {  	[tilespmem:s17+$0x1B0] =	vst v0  }
0x9d: {  	v0 =	vld [tilespmem:$0x6B40];
	_ =	sdelay $0x4  }
0x9e: {  	[tilespmem:s17+$0x1C0] =	vst v0  }
0x9f: {  	v0 =	vld [tilespmem:$0x6B50];
	_ =	sdelay $0x4  }
0xa0: {  	[tilespmem:s17+$0x1D0] =	vst v0  }
0xa1: {  	v0 =	vld [tilespmem:$0x6B60];
	_ =	sdelay $0x4  }
0xa2: {  	[tilespmem:s17+$0x1E0] =	vst v0  }
0xa3: {  	v0 =	vld [tilespmem:$0x6B70]  }
.Ltmp2:
0xa4: {  	_ = 	snop;
	(pc) =	sbr.rel @p0 .LBB2_4-.Ltmp2, $2  }
0xa5: {  	_ =	sdelay $0x2  }
0xa6: {  	[tilespmem:s17+$0x1F0] =	vst v0  }
.Ltmp3:
0xa7: {  	(pc) =	sbr.rel .LBB2_2-.Ltmp3, $4  }
0xa8: {  	_ = 	snop  }
0xa9: {  	s18 =	sshra.s32 s16, $0x2  }
0xaa: {  	s16 =	sadd.s32 $0x400, s16;
	s17 =	sadd.s32 $0x400, s17;
	s18 =	sadd.s32 $0x1080, s18  }
0xab: {  	[tilespmem:s11], [sflag:$0x2] =	stream.indirect.gather [hbm4b:s2+s8], $0x80, s18, s8, $0xb8;
	[tilespmem:$0xB800] =	vst v63  }
.LBB2_5:
0xac: {  	_ =	sfence.sel $0x180000  }
0xad: {  	[bflag:$0x0] =	sbarrier.arrive $0xFFFF  }
0xae: {  	p0 =	sne.s32 s1, $0x0;
	_ =	strace $0x90000047  }
0xaf: {  	s0 =	sadd.s32 @!p0 $0x100000, s0;
	[bflag:$0x2] =	sbarrier.arrive $0xFFFF  }
0xb0: {  	[sflag:s0] =	ssyncadd.tile.s32 @!p0 $0x1;
	_ =	shalt  }
.Lfunc_end2:
_tile_overlayer_lowered:
.L_overlay_start_2:
0xb1: {  	(tag) =	ssettag $0x2  }
0xb2: {  	s0 =	rddreg [dreg:$0x0];
	s2 =	stileid.u32  }
0xb3: {  	s1 =	rddreg [dreg:$0x1];
	p0 =	sne.s32 s2, $0x0  }
0xb4: {  	s3 =	rddreg [dreg:$0x2];
	[bflag:$0x3] =	sbarrier.arrive $0xFFFF;
	s2 =	simm.s32 @!p0 $0x1C03  }
0xb5: {  	[timem:s3], [sflag:s2] =	dma.local @!p0 [hbm:s0], s1  }
0xb6: {  	s0 =	simm.s32 @!p0 $0x3  }
0xb7: {  	_ =	swait.ge @!p0 [sflag:s0], s1  }
0xb8: {  	s1 =	ssub.s32 @!p0 $0x0, s1;
	[sflag:s0] =	ssyncset.done @!p0 $0x0  }
0xb9: {  	[sflag:s0] =	ssyncadd.s32 @!p0 s1  }
0xba: {  	[bflag:$0x3] =	sbarrier.arrive $0xFFFF  }
0xbb: {  	_ =	shalt  }

</sc_bundles>
